<compile_context>
chip_gen: v7x
topology: tpu7x:2x2x1
jax: 0.10.2.dev20260603
libtpu: 0.0.44.dev20260713+nightly
codegen_flags: <defaults>
</compile_context>

<pallas_src>
import functools

import jax
import jax.numpy as jnp
from jax import lax
from jax.experimental import pallas as pl
from jax.experimental.pallas import tpu as pltpu
from jax.experimental.pallas import tpu_sc as plsc

_TM = 256
_TC = 512


def _dist_argmin_body(x_ref, etn_ref, idx_ref, loss_ref, enorm_ref, acc_ref):
    m = pl.program_id(0)
    nm = pl.num_programs(0)
    K = etn_ref.shape[1]

    @pl.when(m == 0)
    def _init():
        etn = etn_ref[...]
        enorm_ref[...] = 0.25 * jnp.sum(etn * etn, axis=0, keepdims=True)
        acc_ref[0, 0] = 0.0

    x = x_ref[...]
    xnorm = jnp.sum(x * x, axis=1, keepdims=True)

    run_min = None
    run_idx = None
    for c in range(K // _TC):
        etn_c = etn_ref[:, c * _TC:(c + 1) * _TC]
        mm2 = jnp.dot(x, etn_c, preferred_element_type=jnp.float32)
        scores = mm2 + enorm_ref[:, c * _TC:(c + 1) * _TC]
        cmin = jnp.min(scores, axis=1, keepdims=True)
        lane = lax.broadcasted_iota(jnp.int32, scores.shape, 1) + c * _TC
        cand = jnp.where(scores == cmin, lane, jnp.int32(2**31 - 1))
        carg = jnp.min(cand, axis=1, keepdims=True)
        if run_min is None:
            run_min, run_idx = cmin, carg
        else:
            better = cmin < run_min
            run_min = jnp.where(better, cmin, run_min)
            run_idx = jnp.where(better, carg, run_idx)

    idx_ref[...] = run_idx
    acc_ref[0, 0] = acc_ref[0, 0] + jnp.sum(run_min + xnorm)

    @pl.when(m == nm - 1)
    def _fin():
        loss_ref[0, 0] = acc_ref[0, 0]


def _dist_argmin(x, et):
    M, D = x.shape
    K = et.shape[1]
    return pl.pallas_call(
        _dist_argmin_body,
        grid=(M // _TM,),
        in_specs=[
            pl.BlockSpec((_TM, D), lambda m: (m, 0)),
            pl.BlockSpec((D, K), lambda m: (0, 0)),
        ],
        out_specs=[
            pl.BlockSpec((_TM, 1), lambda m: (m, 0)),
            pl.BlockSpec((1, 1), lambda m: (0, 0), memory_space=pltpu.SMEM),
        ],
        out_shape=[
            jax.ShapeDtypeStruct((M, 1), jnp.int32),
            jax.ShapeDtypeStruct((1, 1), jnp.float32),
        ],
        scratch_shapes=[
            pltpu.VMEM((1, K), jnp.float32),
            pltpu.SMEM((1, 1), jnp.float32),
        ],
    )(x, et)


_CH = 128


@functools.lru_cache(maxsize=None)
def _make_sc_gather(K, D, M):
    info = plsc.get_sparse_core_info()
    nw = info.num_cores * info.num_subcores
    rows_per_w = M // nw
    nch = rows_per_w // _CH
    mesh = plsc.VectorSubcoreMesh(core_axis_name="c", subcore_axis_name="s")

    @functools.partial(
        pl.kernel,
        mesh=mesh,
        out_type=jax.ShapeDtypeStruct((M, D), jnp.float32),
        scratch_types=[
            pltpu.VMEM((nch, _CH), jnp.int32),
            pltpu.VMEM((_CH, D), jnp.float32),
            pltpu.VMEM((_CH, D), jnp.float32),
            pltpu.SemaphoreType.DMA,
            pltpu.SemaphoreType.DMA,
        ],
    )
    def gather(table_hbm, idx_hbm, out_hbm, idx_v, rows_a, rows_b, sem_a, sem_b):
        wid = lax.axis_index("s") * info.num_cores + lax.axis_index("c")
        base = wid * rows_per_w
        pltpu.sync_copy(idx_hbm.at[pl.ds(wid * nch, nch)], idx_v)
        bufs = (rows_a, rows_b)
        sems = (sem_a, sem_b)
        h = pltpu.async_copy(table_hbm.at[idx_v.at[0]], bufs[0], sems[0])
        for ci in range(nch):
            h.wait()
            if ci + 1 < nch:
                h = pltpu.async_copy(
                    table_hbm.at[idx_v.at[ci + 1]],
                    bufs[(ci + 1) % 2], sems[(ci + 1) % 2])
            pltpu.sync_copy(bufs[ci % 2],
                            out_hbm.at[pl.ds(base + ci * _CH, _CH)])

    return gather


def kernel(z_real, z_imag, embedding):
    B, L, D = z_real.shape
    K = embedding.shape[0]
    M = B * L

    x = z_real.reshape(M, D)
    etn = embedding.T * (-2.0)
    idx2d, loss11 = _dist_argmin(x, etn)

    idx = idx2d.reshape(M // _CH, _CH)
    zq_flat = _make_sc_gather(K, D, M)(embedding, idx)
    z_quant_real = zq_flat.reshape(B, L, D)

    vq_loss = (loss11 * (1.25 / (M * D))).reshape(())
    return z_quant_real, z_imag, vq_loss

# --- scband reference (transcript-rebuilt; emitter-appended) ---
"""Pipeline reference for scband-enhanced-context-aware-dual-vq-24902220382527 (READ-ONLY COPY).

The authoritative reference and input builder live on the scoring server;
editing this copy changes nothing except your own understanding.
"""

import jax, jax.numpy as jnp
import numpy as np


def setup_inputs(seed: int = 0) -> dict:
    key = jax.random.key(seed)
    k1, k2, k3 = jax.random.split(key, 3)
    B, L, D, K = 16, 1024, 256, 8192
    z_real = jax.random.normal(k1, (B, L, D), dtype=jnp.float32)
    z_imag = jax.random.normal(k2, (B, L, D), dtype=jnp.float32)
    embedding = jax.random.normal(k3, (K, D), dtype=jnp.float32)
    return {"z_real": z_real, "z_imag": z_imag, "embedding": embedding}


def reference(z_real, z_imag, embedding):
    # torch module takes complex z = z_real + i*z_imag; we carry real/imag parts explicitly.
    B, L, D = z_real.shape
    # target = z.real; flat_target = target.view(B*L, D)
    flat_target = z_real.reshape(B * L, D)
    # squared-distance to codebook: ||x||^2 - 2 x e^T + ||e||^2
    dist = (jnp.sum(flat_target ** 2, axis=1, keepdims=True)
            - 2.0 * jnp.matmul(flat_target, embedding.T)
            + jnp.sum(embedding ** 2, axis=1))
    encoding_indices = jnp.argmin(dist, axis=1)
    z_quant_real = jnp.take(embedding, encoding_indices, axis=0).reshape(B, L, D)
    # vq_loss = mse(detach(zq.real), z.real) + 0.25 * mse(zq.real, detach(z.real))
    vq_loss = (jnp.mean((jax.lax.stop_gradient(z_quant_real) - z_real) ** 2)
               + 0.25 * jnp.mean((z_quant_real - jax.lax.stop_gradient(z_real)) ** 2))
    # straight-through: z_quant = z + (z_quant - z).detach()
    zq_real_st = z_real + jax.lax.stop_gradient(z_quant_real - z_real)
    # imag part: z_imag + stop_grad(z_imag - z_imag) == z_imag (torch.complex(zq_real, z.imag))
    zq_imag_st = z_imag
    # outputs correspond to (z_quant.real, z_quant.imag, vq_loss)
    return zq_real_st, zq_imag_st, vq_loss

if __name__ == "__main__":
    import jax
    _d = setup_inputs()
    print(jax.jit(kernel)(*tuple(_d.values())))

</pallas_src>

<mosaic_0001>
#map = affine_map<(d0, d1) -> (0, 0)>
module attributes {stable_mosaic.version = 14 : i64} {
  func.func @gather(%arg0: i32, %arg1: i32, %arg2: memref<8192x256xf32, #tpu.memory_space<hbm>>, %arg3: memref<128x128xi32, #tpu.memory_space<hbm>>, %arg4: memref<16384x256xf32, #tpu.memory_space<hbm>>, %arg5: memref<4x128xi32, #tpu.memory_space<vmem>>, %arg6: memref<128x256xf32, #tpu.memory_space<vmem>>, %arg7: memref<128x256xf32, #tpu.memory_space<vmem>>, %arg8: memref<!tpu.dma_semaphore, #tpu.memory_space<semaphore_mem>>, %arg9: memref<!tpu.dma_semaphore, #tpu.memory_space<semaphore_mem>>) attributes {dimension_semantics = [#tpu.dimension_semantics<core_parallel>, #tpu.dimension_semantics<subcore_parallel>], iteration_bounds = array<i64: 2, 16>, scalar_prefetch = 0 : i64, scratch_operands = 5 : i64, tpu.core_type = #tpu.core_type<sc_vector_subcore>, window_params = [{transform_indices = #map}, {transform_indices = #map}, {transform_indices = #map}]} {
    %mul3A = arith.constant 2 : i32
    %mul3A_0 = arith.muli %arg1, %mul3A : i32
    %add3A = arith.addi %mul3A_0, %arg0 : i32
    %mul3A_1 = arith.constant 512 : i32
    %mul3A_2 = arith.muli %add3A, %mul3A_1 : i32
    %mul3A_3 = arith.constant 4 : i32
    %mul3A_4 = arith.muli %add3A, %mul3A_3 : i32
    "tpu.region"() ({
      %run_scoped3A = tpu.sem_alloc : memref<!tpu.dma_semaphore, #tpu.memory_space<semaphore_mem>>
      %dma_start3A_67 = arith.constant 0 : i32
      %dma_start3A_68 = tpu.memref_slice %arg3[%mul3A_4, %dma_start3A_67] : memref<128x128xi32, #tpu.memory_space<hbm>> -> memref<4x128xi32, #tpu.memory_space<hbm>>
      %dma_start3A_69 = arith.constant 0 : i32
      %dma_start3A_70 = tpu.memref_slice %arg3[%mul3A_4, %dma_start3A_69] : memref<128x128xi32, #tpu.memory_space<hbm>> -> memref<4x128xi32, #tpu.memory_space<hbm>>
      tpu.enqueue_dma source(%dma_start3A_70 : memref<4x128xi32, #tpu.memory_space<hbm>>) target(%arg5 : memref<4x128xi32, #tpu.memory_space<vmem>>) target_semaphore(%run_scoped3A : memref<!tpu.dma_semaphore, #tpu.memory_space<semaphore_mem>>)
      %dma_wait3A_71 = arith.constant 0 : i32
      %dma_wait3A_72 = tpu.memref_slice %arg3[%mul3A_4, %dma_wait3A_71] : memref<128x128xi32, #tpu.memory_space<hbm>> -> memref<4x128xi32, #tpu.memory_space<hbm>>
      %dma_wait3A_73 = arith.constant 0 : i32
      %dma_wait3A_74 = tpu.memref_slice %arg3[%mul3A_4, %dma_wait3A_73] : memref<128x128xi32, #tpu.memory_space<hbm>> -> memref<4x128xi32, #tpu.memory_space<hbm>>
      tpu.wait_dma2 semaphore(%run_scoped3A : memref<!tpu.dma_semaphore, #tpu.memory_space<semaphore_mem>>) src(%dma_wait3A_74 : memref<4x128xi32, #tpu.memory_space<hbm>>) dst(%arg5 : memref<4x128xi32, #tpu.memory_space<vmem>>)
      tpu.yield
    }) : () -> ()
    %dma_start3A = arith.constant 0 : i32
    %dma_start3A_5 = arith.constant 0 : i32
    %dma_start3A_6 = tpu.memref_slice %arg5[%dma_start3A, %dma_start3A_5] : memref<4x128xi32, #tpu.memory_space<vmem>> -> memref<1x128xi32, #tpu.memory_space<vmem>>
    %dma_start3A_7 = tpu.memref_squeeze %dma_start3A_6 : memref<1x128xi32, #tpu.memory_space<vmem>> -> memref<128xi32, #tpu.memory_space<vmem>>
    %dma_start3A_8 = arith.constant 0 : i32
    %dma_start3A_9 = arith.constant 0 : i32
    %dma_start3A_10 = tpu.memref_slice %arg2[%dma_start3A_8, %dma_start3A_9] : memref<8192x256xf32, #tpu.memory_space<hbm>> -> memref<8192x256xf32, #tpu.memory_space<hbm>>
    tpu.enqueue_indirect_dma source(%dma_start3A_10 : memref<8192x256xf32, #tpu.memory_space<hbm>>) target(%arg6 : memref<128x256xf32, #tpu.memory_space<vmem>>) offsets(%dma_start3A_7 : memref<128xi32, #tpu.memory_space<vmem>>) semaphore(%arg8 : memref<!tpu.dma_semaphore, #tpu.memory_space<semaphore_mem>>)
    %dma_wait3A = arith.constant 0 : i32
    %dma_wait3A_11 = arith.constant 0 : i32
    %dma_wait3A_12 = tpu.memref_slice %arg5[%dma_wait3A, %dma_wait3A_11] : memref<4x128xi32, #tpu.memory_space<vmem>> -> memref<1x128xi32, #tpu.memory_space<vmem>>
    %dma_wait3A_13 = tpu.memref_squeeze %dma_wait3A_12 : memref<1x128xi32, #tpu.memory_space<vmem>> -> memref<128xi32, #tpu.memory_space<vmem>>
    %dma_wait3A_14 = arith.constant 0 : i32
    %dma_wait3A_15 = arith.constant 0 : i32
    %dma_wait3A_16 = tpu.memref_slice %arg2[%dma_wait3A_14, %dma_wait3A_15] : memref<8192x256xf32, #tpu.memory_space<hbm>> -> memref<8192x256xf32, #tpu.memory_space<hbm>>
    tpu.wait_indirect_dma semaphore(%arg8 : memref<!tpu.dma_semaphore, #tpu.memory_space<semaphore_mem>>) src(%dma_wait3A_16 : memref<8192x256xf32, #tpu.memory_space<hbm>>) dst(%arg6 : memref<128x256xf32, #tpu.memory_space<vmem>>)
    %dma_start3A_17 = arith.constant 1 : i32
    %dma_start3A_18 = arith.constant 0 : i32
    %dma_start3A_19 = tpu.memref_slice %arg5[%dma_start3A_17, %dma_start3A_18] : memref<4x128xi32, #tpu.memory_space<vmem>> -> memref<1x128xi32, #tpu.memory_space<vmem>>
    %dma_start3A_20 = tpu.memref_squeeze %dma_start3A_19 : memref<1x128xi32, #tpu.memory_space<vmem>> -> memref<128xi32, #tpu.memory_space<vmem>>
    %dma_start3A_21 = arith.constant 0 : i32
    %dma_start3A_22 = arith.constant 0 : i32
    %dma_start3A_23 = tpu.memref_slice %arg2[%dma_start3A_21, %dma_start3A_22] : memref<8192x256xf32, #tpu.memory_space<hbm>> -> memref<8192x256xf32, #tpu.memory_space<hbm>>
    tpu.enqueue_indirect_dma source(%dma_start3A_23 : memref<8192x256xf32, #tpu.memory_space<hbm>>) target(%arg7 : memref<128x256xf32, #tpu.memory_space<vmem>>) offsets(%dma_start3A_20 : memref<128xi32, #tpu.memory_space<vmem>>) semaphore(%arg9 : memref<!tpu.dma_semaphore, #tpu.memory_space<semaphore_mem>>)
    %add3A_24 = arith.constant 0 : i32
    %add3A_25 = arith.addi %mul3A_2, %add3A_24 : i32
    "tpu.region"() ({
      %run_scoped3A = tpu.sem_alloc : memref<!tpu.dma_semaphore, #tpu.memory_space<semaphore_mem>>
      %dma_start3A_67 = arith.constant 0 : i32
      %dma_start3A_68 = tpu.memref_slice %arg4[%add3A_25, %dma_start3A_67] : memref<16384x256xf32, #tpu.memory_space<hbm>> -> memref<128x256xf32, #tpu.memory_space<hbm>>
      %dma_start3A_69 = arith.constant 0 : i32
      %dma_start3A_70 = tpu.memref_slice %arg4[%add3A_25, %dma_start3A_69] : memref<16384x256xf32, #tpu.memory_space<hbm>> -> memref<128x256xf32, #tpu.memory_space<hbm>>
      tpu.enqueue_dma source(%arg6 : memref<128x256xf32, #tpu.memory_space<vmem>>) target(%dma_start3A_70 : memref<128x256xf32, #tpu.memory_space<hbm>>) target_semaphore(%run_scoped3A : memref<!tpu.dma_semaphore, #tpu.memory_space<semaphore_mem>>)
      %dma_wait3A_71 = arith.constant 0 : i32
      %dma_wait3A_72 = tpu.memref_slice %arg4[%add3A_25, %dma_wait3A_71] : memref<16384x256xf32, #tpu.memory_space<hbm>> -> memref<128x256xf32, #tpu.memory_space<hbm>>
      %dma_wait3A_73 = arith.constant 0 : i32
      %dma_wait3A_74 = tpu.memref_slice %arg4[%add3A_25, %dma_wait3A_73] : memref<16384x256xf32, #tpu.memory_space<hbm>> -> memref<128x256xf32, #tpu.memory_space<hbm>>
      tpu.wait_dma2 semaphore(%run_scoped3A : memref<!tpu.dma_semaphore, #tpu.memory_space<semaphore_mem>>) src(%arg6 : memref<128x256xf32, #tpu.memory_space<vmem>>) dst(%dma_wait3A_74 : memref<128x256xf32, #tpu.memory_space<hbm>>)
      tpu.yield
    }) : () -> ()
    %dma_wait3A_26 = arith.constant 1 : i32
    %dma_wait3A_27 = arith.constant 0 : i32
    %dma_wait3A_28 = tpu.memref_slice %arg5[%dma_wait3A_26, %dma_wait3A_27] : memref<4x128xi32, #tpu.memory_space<vmem>> -> memref<1x128xi32, #tpu.memory_space<vmem>>
    %dma_wait3A_29 = tpu.memref_squeeze %dma_wait3A_28 : memref<1x128xi32, #tpu.memory_space<vmem>> -> memref<128xi32, #tpu.memory_space<vmem>>
    %dma_wait3A_30 = arith.constant 0 : i32
    %dma_wait3A_31 = arith.constant 0 : i32
    %dma_wait3A_32 = tpu.memref_slice %arg2[%dma_wait3A_30, %dma_wait3A_31] : memref<8192x256xf32, #tpu.memory_space<hbm>> -> memref<8192x256xf32, #tpu.memory_space<hbm>>
    tpu.wait_indirect_dma semaphore(%arg9 : memref<!tpu.dma_semaphore, #tpu.memory_space<semaphore_mem>>) src(%dma_wait3A_32 : memref<8192x256xf32, #tpu.memory_space<hbm>>) dst(%arg7 : memref<128x256xf32, #tpu.memory_space<vmem>>)
    %dma_start3A_33 = arith.constant 2 : i32
    %dma_start3A_34 = arith.constant 0 : i32
    %dma_start3A_35 = tpu.memref_slice %arg5[%dma_start3A_33, %dma_start3A_34] : memref<4x128xi32, #tpu.memory_space<vmem>> -> memref<1x128xi32, #tpu.memory_space<vmem>>
    %dma_start3A_36 = tpu.memref_squeeze %dma_start3A_35 : memref<1x128xi32, #tpu.memory_space<vmem>> -> memref<128xi32, #tpu.memory_space<vmem>>
    %dma_start3A_37 = arith.constant 0 : i32
    %dma_start3A_38 = arith.constant 0 : i32
    %dma_start3A_39 = tpu.memref_slice %arg2[%dma_start3A_37, %dma_start3A_38] : memref<8192x256xf32, #tpu.memory_space<hbm>> -> memref<8192x256xf32, #tpu.memory_space<hbm>>
    tpu.enqueue_indirect_dma source(%dma_start3A_39 : memref<8192x256xf32, #tpu.memory_space<hbm>>) target(%arg6 : memref<128x256xf32, #tpu.memory_space<vmem>>) offsets(%dma_start3A_36 : memref<128xi32, #tpu.memory_space<vmem>>) semaphore(%arg8 : memref<!tpu.dma_semaphore, #tpu.memory_space<semaphore_mem>>)
    %add3A_40 = arith.constant 128 : i32
    %add3A_41 = arith.addi %mul3A_2, %add3A_40 : i32
    "tpu.region"() ({
      %run_scoped3A = tpu.sem_alloc : memref<!tpu.dma_semaphore, #tpu.memory_space<semaphore_mem>>
      %dma_start3A_67 = arith.constant 0 : i32
      %dma_start3A_68 = tpu.memref_slice %arg4[%add3A_41, %dma_start3A_67] : memref<16384x256xf32, #tpu.memory_space<hbm>> -> memref<128x256xf32, #tpu.memory_space<hbm>>
      %dma_start3A_69 = arith.constant 0 : i32
      %dma_start3A_70 = tpu.memref_slice %arg4[%add3A_41, %dma_start3A_69] : memref<16384x256xf32, #tpu.memory_space<hbm>> -> memref<128x256xf32, #tpu.memory_space<hbm>>
      tpu.enqueue_dma source(%arg7 : memref<128x256xf32, #tpu.memory_space<vmem>>) target(%dma_start3A_70 : memref<128x256xf32, #tpu.memory_space<hbm>>) target_semaphore(%run_scoped3A : memref<!tpu.dma_semaphore, #tpu.memory_space<semaphore_mem>>)
      %dma_wait3A_71 = arith.constant 0 : i32
      %dma_wait3A_72 = tpu.memref_slice %arg4[%add3A_41, %dma_wait3A_71] : memref<16384x256xf32, #tpu.memory_space<hbm>> -> memref<128x256xf32, #tpu.memory_space<hbm>>
      %dma_wait3A_73 = arith.constant 0 : i32
      %dma_wait3A_74 = tpu.memref_slice %arg4[%add3A_41, %dma_wait3A_73] : memref<16384x256xf32, #tpu.memory_space<hbm>> -> memref<128x256xf32, #tpu.memory_space<hbm>>
      tpu.wait_dma2 semaphore(%run_scoped3A : memref<!tpu.dma_semaphore, #tpu.memory_space<semaphore_mem>>) src(%arg7 : memref<128x256xf32, #tpu.memory_space<vmem>>) dst(%dma_wait3A_74 : memref<128x256xf32, #tpu.memory_space<hbm>>)
      tpu.yield
    }) : () -> ()
    %dma_wait3A_42 = arith.constant 2 : i32
    %dma_wait3A_43 = arith.constant 0 : i32
    %dma_wait3A_44 = tpu.memref_slice %arg5[%dma_wait3A_42, %dma_wait3A_43] : memref<4x128xi32, #tpu.memory_space<vmem>> -> memref<1x128xi32, #tpu.memory_space<vmem>>
    %dma_wait3A_45 = tpu.memref_squeeze %dma_wait3A_44 : memref<1x128xi32, #tpu.memory_space<vmem>> -> memref<128xi32, #tpu.memory_space<vmem>>
    %dma_wait3A_46 = arith.constant 0 : i32
    %dma_wait3A_47 = arith.constant 0 : i32
    %dma_wait3A_48 = tpu.memref_slice %arg2[%dma_wait3A_46, %dma_wait3A_47] : memref<8192x256xf32, #tpu.memory_space<hbm>> -> memref<8192x256xf32, #tpu.memory_space<hbm>>
    tpu.wait_indirect_dma semaphore(%arg8 : memref<!tpu.dma_semaphore, #tpu.memory_space<semaphore_mem>>) src(%dma_wait3A_48 : memref<8192x256xf32, #tpu.memory_space<hbm>>) dst(%arg6 : memref<128x256xf32, #tpu.memory_space<vmem>>)
    %dma_start3A_49 = arith.constant 3 : i32
    %dma_start3A_50 = arith.constant 0 : i32
    %dma_start3A_51 = tpu.memref_slice %arg5[%dma_start3A_49, %dma_start3A_50] : memref<4x128xi32, #tpu.memory_space<vmem>> -> memref<1x128xi32, #tpu.memory_space<vmem>>
    %dma_start3A_52 = tpu.memref_squeeze %dma_start3A_51 : memref<1x128xi32, #tpu.memory_space<vmem>> -> memref<128xi32, #tpu.memory_space<vmem>>
    %dma_start3A_53 = arith.constant 0 : i32
    %dma_start3A_54 = arith.constant 0 : i32
    %dma_start3A_55 = tpu.memref_slice %arg2[%dma_start3A_53, %dma_start3A_54] : memref<8192x256xf32, #tpu.memory_space<hbm>> -> memref<8192x256xf32, #tpu.memory_space<hbm>>
    tpu.enqueue_indirect_dma source(%dma_start3A_55 : memref<8192x256xf32, #tpu.memory_space<hbm>>) target(%arg7 : memref<128x256xf32, #tpu.memory_space<vmem>>) offsets(%dma_start3A_52 : memref<128xi32, #tpu.memory_space<vmem>>) semaphore(%arg9 : memref<!tpu.dma_semaphore, #tpu.memory_space<semaphore_mem>>)
    %add3A_56 = arith.constant 256 : i32
    %add3A_57 = arith.addi %mul3A_2, %add3A_56 : i32
    "tpu.region"() ({
      %run_scoped3A = tpu.sem_alloc : memref<!tpu.dma_semaphore, #tpu.memory_space<semaphore_mem>>
      %dma_start3A_67 = arith.constant 0 : i32
      %dma_start3A_68 = tpu.memref_slice %arg4[%add3A_57, %dma_start3A_67] : memref<16384x256xf32, #tpu.memory_space<hbm>> -> memref<128x256xf32, #tpu.memory_space<hbm>>
      %dma_start3A_69 = arith.constant 0 : i32
      %dma_start3A_70 = tpu.memref_slice %arg4[%add3A_57, %dma_start3A_69] : memref<16384x256xf32, #tpu.memory_space<hbm>> -> memref<128x256xf32, #tpu.memory_space<hbm>>
      tpu.enqueue_dma source(%arg6 : memref<128x256xf32, #tpu.memory_space<vmem>>) target(%dma_start3A_70 : memref<128x256xf32, #tpu.memory_space<hbm>>) target_semaphore(%run_scoped3A : memref<!tpu.dma_semaphore, #tpu.memory_space<semaphore_mem>>)
      %dma_wait3A_71 = arith.constant 0 : i32
      %dma_wait3A_72 = tpu.memref_slice %arg4[%add3A_57, %dma_wait3A_71] : memref<16384x256xf32, #tpu.memory_space<hbm>> -> memref<128x256xf32, #tpu.memory_space<hbm>>
      %dma_wait3A_73 = arith.constant 0 : i32
      %dma_wait3A_74 = tpu.memref_slice %arg4[%add3A_57, %dma_wait3A_73] : memref<16384x256xf32, #tpu.memory_space<hbm>> -> memref<128x256xf32, #tpu.memory_space<hbm>>
      tpu.wait_dma2 semaphore(%run_scoped3A : memref<!tpu.dma_semaphore, #tpu.memory_space<semaphore_mem>>) src(%arg6 : memref<128x256xf32, #tpu.memory_space<vmem>>) dst(%dma_wait3A_74 : memref<128x256xf32, #tpu.memory_space<hbm>>)
      tpu.yield
    }) : () -> ()
    %dma_wait3A_58 = arith.constant 3 : i32
    %dma_wait3A_59 = arith.constant 0 : i32
    %dma_wait3A_60 = tpu.memref_slice %arg5[%dma_wait3A_58, %dma_wait3A_59] : memref<4x128xi32, #tpu.memory_space<vmem>> -> memref<1x128xi32, #tpu.memory_space<vmem>>
    %dma_wait3A_61 = tpu.memref_squeeze %dma_wait3A_60 : memref<1x128xi32, #tpu.memory_space<vmem>> -> memref<128xi32, #tpu.memory_space<vmem>>
    %dma_wait3A_62 = arith.constant 0 : i32
    %dma_wait3A_63 = arith.constant 0 : i32
    %dma_wait3A_64 = tpu.memref_slice %arg2[%dma_wait3A_62, %dma_wait3A_63] : memref<8192x256xf32, #tpu.memory_space<hbm>> -> memref<8192x256xf32, #tpu.memory_space<hbm>>
    tpu.wait_indirect_dma semaphore(%arg9 : memref<!tpu.dma_semaphore, #tpu.memory_space<semaphore_mem>>) src(%dma_wait3A_64 : memref<8192x256xf32, #tpu.memory_space<hbm>>) dst(%arg7 : memref<128x256xf32, #tpu.memory_space<vmem>>)
    %add3A_65 = arith.constant 384 : i32
    %add3A_66 = arith.addi %mul3A_2, %add3A_65 : i32
    "tpu.region"() ({
      %run_scoped3A = tpu.sem_alloc : memref<!tpu.dma_semaphore, #tpu.memory_space<semaphore_mem>>
      %dma_start3A_67 = arith.constant 0 : i32
      %dma_start3A_68 = tpu.memref_slice %arg4[%add3A_66, %dma_start3A_67] : memref<16384x256xf32, #tpu.memory_space<hbm>> -> memref<128x256xf32, #tpu.memory_space<hbm>>
      %dma_start3A_69 = arith.constant 0 : i32
      %dma_start3A_70 = tpu.memref_slice %arg4[%add3A_66, %dma_start3A_69] : memref<16384x256xf32, #tpu.memory_space<hbm>> -> memref<128x256xf32, #tpu.memory_space<hbm>>
      tpu.enqueue_dma source(%arg7 : memref<128x256xf32, #tpu.memory_space<vmem>>) target(%dma_start3A_70 : memref<128x256xf32, #tpu.memory_space<hbm>>) target_semaphore(%run_scoped3A : memref<!tpu.dma_semaphore, #tpu.memory_space<semaphore_mem>>)
      %dma_wait3A_71 = arith.constant 0 : i32
      %dma_wait3A_72 = tpu.memref_slice %arg4[%add3A_66, %dma_wait3A_71] : memref<16384x256xf32, #tpu.memory_space<hbm>> -> memref<128x256xf32, #tpu.memory_space<hbm>>
      %dma_wait3A_73 = arith.constant 0 : i32
      %dma_wait3A_74 = tpu.memref_slice %arg4[%add3A_66, %dma_wait3A_73] : memref<16384x256xf32, #tpu.memory_space<hbm>> -> memref<128x256xf32, #tpu.memory_space<hbm>>
      tpu.wait_dma2 semaphore(%run_scoped3A : memref<!tpu.dma_semaphore, #tpu.memory_space<semaphore_mem>>) src(%arg7 : memref<128x256xf32, #tpu.memory_space<vmem>>) dst(%dma_wait3A_74 : memref<128x256xf32, #tpu.memory_space<hbm>>)
      tpu.yield
    }) : () -> ()
    return
  }
}

module attributes {stable_mosaic.version = 14 : i64} {
  func.func @_dist_argmin_body(%arg0: i32, %arg1: memref<256x256xf32, #tpu.memory_space<vmem>>, %arg2: memref<256x8192xf32, #tpu.memory_space<vmem>>, %arg3: memref<256x1xi32, #tpu.memory_space<vmem>>, %arg4: memref<1x1xf32, #tpu.memory_space<smem>>, %arg5: memref<1x8192xf32, #tpu.memory_space<vmem>>, %arg6: memref<1x1xf32, #tpu.memory_space<smem>>) attributes {dimension_semantics = [#tpu.dimension_semantics<arbitrary>], iteration_bounds = array<i64: 64>, scalar_prefetch = 0 : i64, scratch_operands = 2 : i64, tpu.core_type = #tpu.core_type<tc>, window_params = [{transform_indices = @transform_0, window_bounds = array<i64: 256, 256>}, {pipeline_mode = #tpu.pipeline_mode<synchronous>, transform_indices = @transform_1, window_bounds = array<i64: 256, 8192>}, {transform_indices = @transform_2, window_bounds = array<i64: 256, 1>}, {transform_indices = @transform_3, window_bounds = array<i64: 1, 1>}]} {
    %eq3A = arith.constant 0 : i32
    %eq3A_0 = arith.cmpi eq, %arg0, %eq3A : i32
    %convert_element_type3A = arith.extui %eq3A_0 : i1 to i32
    %cond3A = arith.constant 0 : i32
    %cond3A_1 = arith.cmpi ne, %convert_element_type3A, %cond3A : i32
    scf.if %cond3A_1 {
      %get3A_463 = arith.constant 0 : index
      %get3A_464 = arith.constant 0 : index
      %get3A_465 = vector.load %arg2[%get3A_463, %get3A_464] : memref<256x8192xf32, #tpu.memory_space<vmem>>, vector<256x8192xf32>
      %mul3A_466 = arith.mulf %get3A_465, %get3A_465 : vector<256x8192xf32>
      %reduce_sum3A_467 = arith.constant dense<0.000000e+00> : vector<8192xf32>
      %reduce_sum3A_468 = vector.multi_reduction <add>, %mul3A_466, %reduce_sum3A_467 [0] : vector<256x8192xf32> to vector<8192xf32>
      %broadcast_in_dim3A_469 = vector.shape_cast %reduce_sum3A_468 : vector<8192xf32> to vector<1x8192xf32>
      %mul3A_470 = arith.constant 2.500000e-01 : f32
      %mul3A_471 = vector.broadcast %mul3A_470 : f32 to vector<1x8192xf32>
      %mul3A_472 = arith.mulf %mul3A_471, %broadcast_in_dim3A_469 : vector<1x8192xf32>
      %swap3A_473 = arith.constant 0 : index
      %swap3A_474 = arith.constant 0 : index
      %swap3A_475 = vector.load %arg5[%swap3A_473, %swap3A_474] : memref<1x8192xf32, #tpu.memory_space<vmem>>, vector<1x8192xf32>
      tpu.vector_store %arg5[%swap3A_473, %swap3A_474], %mul3A_472 {strides = array<i32>} : memref<1x8192xf32, #tpu.memory_space<vmem>>, vector<1x8192xf32>,
      %swap3A_476 = arith.constant 0.000000e+00 : f32
      %swap3A_477 = arith.constant 0 : index
      %swap3A_478 = arith.constant 0 : index
      %swap3A_479 = memref.load %arg6[%swap3A_477, %swap3A_478] : memref<1x1xf32, #tpu.memory_space<smem>>
      memref.store %swap3A_476, %arg6[%swap3A_477, %swap3A_478] : memref<1x1xf32, #tpu.memory_space<smem>>
    } else {
    }
    %get3A = arith.constant 0 : index
    %get3A_2 = arith.constant 0 : index
    %get3A_3 = vector.load %arg1[%get3A, %get3A_2] : memref<256x256xf32, #tpu.memory_space<vmem>>, vector<256x256xf32>
    %mul3A = arith.mulf %get3A_3, %get3A_3 : vector<256x256xf32>
    %reduce_sum3A = arith.constant dense<0.000000e+00> : vector<256xf32>
    %reduce_sum3A_4 = vector.multi_reduction <add>, %mul3A, %reduce_sum3A [1] : vector<256x256xf32> to vector<256xf32>
    %broadcast_in_dim3A = vector.shape_cast %reduce_sum3A_4 : vector<256xf32> to vector<256x1xf32>
    %get3A_5 = arith.constant 0 : index
    %get3A_6 = arith.constant 0 : index
    %get3A_7 = vector.load %arg2[%get3A_5, %get3A_6] : memref<256x8192xf32, #tpu.memory_space<vmem>>, vector<256x512xf32>
    %dot_general3A = arith.constant dense<0.000000e+00> : vector<256x512xf32>
    %dot_general3A_8 = tpu.matmul %get3A_3, %get3A_7, %dot_general3A {dimension_numbers = #tpu.dot_dimension_numbers<[1], [0], [0], [1], [0, 0, 1, 1], [], []>, transpose_lhs_hint = false} : vector<256x256xf32>, vector<256x512xf32>, vector<256x512xf32> -> vector<256x512xf32>
    %get3A_9 = arith.constant 0 : index
    %get3A_10 = arith.constant 0 : index
    %get3A_11 = vector.load %arg5[%get3A_9, %get3A_10] : memref<1x8192xf32, #tpu.memory_space<vmem>>, vector<1x512xf32>
    %add3A = vector.broadcast %get3A_11 : vector<1x512xf32> to vector<256x512xf32>
    %add3A_12 = arith.addf %dot_general3A_8, %add3A : vector<256x512xf32>
    %reduce_min3A = arith.constant dense<0x7F800000> : vector<256xf32>
    %reduce_min3A_13 = vector.multi_reduction <minimumf>, %add3A_12, %reduce_min3A [1] : vector<256x512xf32> to vector<256xf32>
    %broadcast_in_dim3A_14 = vector.shape_cast %reduce_min3A_13 : vector<256xf32> to vector<256x1xf32>
    %iota3A = tpu.iota {dimensions = array<i32: 1>} : vector<256x512xi32>
    %add3A_15 = arith.constant 0 : i32
    %add3A_16 = vector.broadcast %add3A_15 : i32 to vector<256x512xi32>
    %add3A_17 = arith.addi %iota3A, %add3A_16 : vector<256x512xi32>
    %eq3A_18 = vector.broadcast %broadcast_in_dim3A_14 : vector<256x1xf32> to vector<256x512xf32>
    %eq3A_19 = arith.cmpf oeq, %add3A_12, %eq3A_18 : vector<256x512xf32>
    %jit3A = arith.constant 2147483647 : i32
    %broadcast_in_dim3A_20 = vector.broadcast %jit3A : i32 to vector<256x512xi32>
    %select_n3A = arith.select %eq3A_19, %add3A_17, %broadcast_in_dim3A_20 : vector<256x512xi1>, vector<256x512xi32>
    %reduce_min3A_21 = arith.constant dense<2147483647> : vector<256xi32>
    %reduce_min3A_22 = vector.multi_reduction <minsi>, %select_n3A, %reduce_min3A_21 [1] : vector<256x512xi32> to vector<256xi32>
    %broadcast_in_dim3A_23 = vector.shape_cast %reduce_min3A_22 : vector<256xi32> to vector<256x1xi32>
    %get3A_24 = arith.constant 0 : index
    %get3A_25 = arith.constant 512 : index
    %get3A_26 = vector.load %arg2[%get3A_24, %get3A_25] : memref<256x8192xf32, #tpu.memory_space<vmem>>, vector<256x512xf32>
    %dot_general3A_27 = arith.constant dense<0.000000e+00> : vector<256x512xf32>
    %dot_general3A_28 = tpu.matmul %get3A_3, %get3A_26, %dot_general3A_27 {dimension_numbers = #tpu.dot_dimension_numbers<[1], [0], [0], [1], [0, 0, 1, 1], [], []>, transpose_lhs_hint = false} : vector<256x256xf32>, vector<256x512xf32>, vector<256x512xf32> -> vector<256x512xf32>
    %get3A_29 = arith.constant 0 : index
    %get3A_30 = arith.constant 512 : index
    %get3A_31 = vector.load %arg5[%get3A_29, %get3A_30] : memref<1x8192xf32, #tpu.memory_space<vmem>>, vector<1x512xf32>
    %add3A_32 = vector.broadcast %get3A_31 : vector<1x512xf32> to vector<256x512xf32>
    %add3A_33 = arith.addf %dot_general3A_28, %add3A_32 : vector<256x512xf32>
    %reduce_min3A_34 = arith.constant dense<0x7F800000> : vector<256xf32>
    %reduce_min3A_35 = vector.multi_reduction <minimumf>, %add3A_33, %reduce_min3A_34 [1] : vector<256x512xf32> to vector<256xf32>
    %broadcast_in_dim3A_36 = vector.shape_cast %reduce_min3A_35 : vector<256xf32> to vector<256x1xf32>
    %iota3A_37 = tpu.iota {dimensions = array<i32: 1>} : vector<256x512xi32>
    %add3A_38 = arith.constant 512 : i32
    %add3A_39 = vector.broadcast %add3A_38 : i32 to vector<256x512xi32>
    %add3A_40 = arith.addi %iota3A_37, %add3A_39 : vector<256x512xi32>
    %eq3A_41 = vector.broadcast %broadcast_in_dim3A_36 : vector<256x1xf32> to vector<256x512xf32>
    %eq3A_42 = arith.cmpf oeq, %add3A_33, %eq3A_41 : vector<256x512xf32>
    %jit3A_43 = arith.constant 2147483647 : i32
    %broadcast_in_dim3A_44 = vector.broadcast %jit3A_43 : i32 to vector<256x512xi32>
    %select_n3A_45 = arith.select %eq3A_42, %add3A_40, %broadcast_in_dim3A_44 : vector<256x512xi1>, vector<256x512xi32>
    %reduce_min3A_46 = arith.constant dense<2147483647> : vector<256xi32>
    %reduce_min3A_47 = vector.multi_reduction <minsi>, %select_n3A_45, %reduce_min3A_46 [1] : vector<256x512xi32> to vector<256xi32>
    %broadcast_in_dim3A_48 = vector.shape_cast %reduce_min3A_47 : vector<256xi32> to vector<256x1xi32>
    %lt3A = arith.cmpf olt, %broadcast_in_dim3A_36, %broadcast_in_dim3A_14 : vector<256x1xf32>
    %select_n3A_49 = arith.select %lt3A, %broadcast_in_dim3A_36, %broadcast_in_dim3A_14 : vector<256x1xi1>, vector<256x1xf32>
    %select_n3A_50 = arith.select %lt3A, %broadcast_in_dim3A_48, %broadcast_in_dim3A_23 : vector<256x1xi1>, vector<256x1xi32>
    %get3A_51 = arith.constant 0 : index
    %get3A_52 = arith.constant 1024 : index
    %get3A_53 = vector.load %arg2[%get3A_51, %get3A_52] : memref<256x8192xf32, #tpu.memory_space<vmem>>, vector<256x512xf32>
    %dot_general3A_54 = arith.constant dense<0.000000e+00> : vector<256x512xf32>
    %dot_general3A_55 = tpu.matmul %get3A_3, %get3A_53, %dot_general3A_54 {dimension_numbers = #tpu.dot_dimension_numbers<[1], [0], [0], [1], [0, 0, 1, 1], [], []>, transpose_lhs_hint = false} : vector<256x256xf32>, vector<256x512xf32>, vector<256x512xf32> -> vector<256x512xf32>
    %get3A_56 = arith.constant 0 : index
    %get3A_57 = arith.constant 1024 : index
    %get3A_58 = vector.load %arg5[%get3A_56, %get3A_57] : memref<1x8192xf32, #tpu.memory_space<vmem>>, vector<1x512xf32>
    %add3A_59 = vector.broadcast %get3A_58 : vector<1x512xf32> to vector<256x512xf32>
    %add3A_60 = arith.addf %dot_general3A_55, %add3A_59 : vector<256x512xf32>
    %reduce_min3A_61 = arith.constant dense<0x7F800000> : vector<256xf32>
    %reduce_min3A_62 = vector.multi_reduction <minimumf>, %add3A_60, %reduce_min3A_61 [1] : vector<256x512xf32> to vector<256xf32>
    %broadcast_in_dim3A_63 = vector.shape_cast %reduce_min3A_62 : vector<256xf32> to vector<256x1xf32>
    %iota3A_64 = tpu.iota {dimensions = array<i32: 1>} : vector<256x512xi32>
    %add3A_65 = arith.constant 1024 : i32
    %add3A_66 = vector.broadcast %add3A_65 : i32 to vector<256x512xi32>
    %add3A_67 = arith.addi %iota3A_64, %add3A_66 : vector<256x512xi32>
    %eq3A_68 = vector.broadcast %broadcast_in_dim3A_63 : vector<256x1xf32> to vector<256x512xf32>
    %eq3A_69 = arith.cmpf oeq, %add3A_60, %eq3A_68 : vector<256x512xf32>
    %jit3A_70 = arith.constant 2147483647 : i32
    %broadcast_in_dim3A_71 = vector.broadcast %jit3A_70 : i32 to vector<256x512xi32>
    %select_n3A_72 = arith.select %eq3A_69, %add3A_67, %broadcast_in_dim3A_71 : vector<256x512xi1>, vector<256x512xi32>
    %reduce_min3A_73 = arith.constant dense<2147483647> : vector<256xi32>
    %reduce_min3A_74 = vector.multi_reduction <minsi>, %select_n3A_72, %reduce_min3A_73 [1] : vector<256x512xi32> to vector<256xi32>
    %broadcast_in_dim3A_75 = vector.shape_cast %reduce_min3A_74 : vector<256xi32> to vector<256x1xi32>
    %lt3A_76 = arith.cmpf olt, %broadcast_in_dim3A_63, %select_n3A_49 : vector<256x1xf32>
    %select_n3A_77 = arith.select %lt3A_76, %broadcast_in_dim3A_63, %select_n3A_49 : vector<256x1xi1>, vector<256x1xf32>
    %select_n3A_78 = arith.select %lt3A_76, %broadcast_in_dim3A_75, %select_n3A_50 : vector<256x1xi1>, vector<256x1xi32>
    %get3A_79 = arith.constant 0 : index
    %get3A_80 = arith.constant 1536 : index
    %get3A_81 = vector.load %arg2[%get3A_79, %get3A_80] : memref<256x8192xf32, #tpu.memory_space<vmem>>, vector<256x512xf32>
    %dot_general3A_82 = arith.constant dense<0.000000e+00> : vector<256x512xf32>
    %dot_general3A_83 = tpu.matmul %get3A_3, %get3A_81, %dot_general3A_82 {dimension_numbers = #tpu.dot_dimension_numbers<[1], [0], [0], [1], [0, 0, 1, 1], [], []>, transpose_lhs_hint = false} : vector<256x256xf32>, vector<256x512xf32>, vector<256x512xf32> -> vector<256x512xf32>
    %get3A_84 = arith.constant 0 : index
    %get3A_85 = arith.constant 1536 : index
    %get3A_86 = vector.load %arg5[%get3A_84, %get3A_85] : memref<1x8192xf32, #tpu.memory_space<vmem>>, vector<1x512xf32>
    %add3A_87 = vector.broadcast %get3A_86 : vector<1x512xf32> to vector<256x512xf32>
    %add3A_88 = arith.addf %dot_general3A_83, %add3A_87 : vector<256x512xf32>
    %reduce_min3A_89 = arith.constant dense<0x7F800000> : vector<256xf32>
    %reduce_min3A_90 = vector.multi_reduction <minimumf>, %add3A_88, %reduce_min3A_89 [1] : vector<256x512xf32> to vector<256xf32>
    %broadcast_in_dim3A_91 = vector.shape_cast %reduce_min3A_90 : vector<256xf32> to vector<256x1xf32>
    %iota3A_92 = tpu.iota {dimensions = array<i32: 1>} : vector<256x512xi32>
    %add3A_93 = arith.constant 1536 : i32
    %add3A_94 = vector.broadcast %add3A_93 : i32 to vector<256x512xi32>
    %add3A_95 = arith.addi %iota3A_92, %add3A_94 : vector<256x512xi32>
    %eq3A_96 = vector.broadcast %broadcast_in_dim3A_91 : vector<256x1xf32> to vector<256x512xf32>
    %eq3A_97 = arith.cmpf oeq, %add3A_88, %eq3A_96 : vector<256x512xf32>
    %jit3A_98 = arith.constant 2147483647 : i32
    %broadcast_in_dim3A_99 = vector.broadcast %jit3A_98 : i32 to vector<256x512xi32>
    %select_n3A_100 = arith.select %eq3A_97, %add3A_95, %broadcast_in_dim3A_99 : vector<256x512xi1>, vector<256x512xi32>
    %reduce_min3A_101 = arith.constant dense<2147483647> : vector<256xi32>
    %reduce_min3A_102 = vector.multi_reduction <minsi>, %select_n3A_100, %reduce_min3A_101 [1] : vector<256x512xi32> to vector<256xi32>
    %broadcast_in_dim3A_103 = vector.shape_cast %reduce_min3A_102 : vector<256xi32> to vector<256x1xi32>
    %lt3A_104 = arith.cmpf olt, %broadcast_in_dim3A_91, %select_n3A_77 : vector<256x1xf32>
    %select_n3A_105 = arith.select %lt3A_104, %broadcast_in_dim3A_91, %select_n3A_77 : vector<256x1xi1>, vector<256x1xf32>
    %select_n3A_106 = arith.select %lt3A_104, %broadcast_in_dim3A_103, %select_n3A_78 : vector<256x1xi1>, vector<256x1xi32>
    %get3A_107 = arith.constant 0 : index
    %get3A_108 = arith.constant 2048 : index
    %get3A_109 = vector.load %arg2[%get3A_107, %get3A_108] : memref<256x8192xf32, #tpu.memory_space<vmem>>, vector<256x512xf32>
    %dot_general3A_110 = arith.constant dense<0.000000e+00> : vector<256x512xf32>
    %dot_general3A_111 = tpu.matmul %get3A_3, %get3A_109, %dot_general3A_110 {dimension_numbers = #tpu.dot_dimension_numbers<[1], [0], [0], [1], [0, 0, 1, 1], [], []>, transpose_lhs_hint = false} : vector<256x256xf32>, vector<256x512xf32>, vector<256x512xf32> -> vector<256x512xf32>
    %get3A_112 = arith.constant 0 : index
    %get3A_113 = arith.constant 2048 : index
    %get3A_114 = vector.load %arg5[%get3A_112, %get3A_113] : memref<1x8192xf32, #tpu.memory_space<vmem>>, vector<1x512xf32>
    %add3A_115 = vector.broadcast %get3A_114 : vector<1x512xf32> to vector<256x512xf32>
    %add3A_116 = arith.addf %dot_general3A_111, %add3A_115 : vector<256x512xf32>
    %reduce_min3A_117 = arith.constant dense<0x7F800000> : vector<256xf32>
    %reduce_min3A_118 = vector.multi_reduction <minimumf>, %add3A_116, %reduce_min3A_117 [1] : vector<256x512xf32> to vector<256xf32>
    %broadcast_in_dim3A_119 = vector.shape_cast %reduce_min3A_118 : vector<256xf32> to vector<256x1xf32>
    %iota3A_120 = tpu.iota {dimensions = array<i32: 1>} : vector<256x512xi32>
    %add3A_121 = arith.constant 2048 : i32
    %add3A_122 = vector.broadcast %add3A_121 : i32 to vector<256x512xi32>
    %add3A_123 = arith.addi %iota3A_120, %add3A_122 : vector<256x512xi32>
    %eq3A_124 = vector.broadcast %broadcast_in_dim3A_119 : vector<256x1xf32> to vector<256x512xf32>
    %eq3A_125 = arith.cmpf oeq, %add3A_116, %eq3A_124 : vector<256x512xf32>
    %jit3A_126 = arith.constant 2147483647 : i32
    %broadcast_in_dim3A_127 = vector.broadcast %jit3A_126 : i32 to vector<256x512xi32>
    %select_n3A_128 = arith.select %eq3A_125, %add3A_123, %broadcast_in_dim3A_127 : vector<256x512xi1>, vector<256x512xi32>
    %reduce_min3A_129 = arith.constant dense<2147483647> : vector<256xi32>
    %reduce_min3A_130 = vector.multi_reduction <minsi>, %select_n3A_128, %reduce_min3A_129 [1] : vector<256x512xi32> to vector<256xi32>
    %broadcast_in_dim3A_131 = vector.shape_cast %reduce_min3A_130 : vector<256xi32> to vector<256x1xi32>
    %lt3A_132 = arith.cmpf olt, %broadcast_in_dim3A_119, %select_n3A_105 : vector<256x1xf32>
    %select_n3A_133 = arith.select %lt3A_132, %broadcast_in_dim3A_119, %select_n3A_105 : vector<256x1xi1>, vector<256x1xf32>
    %select_n3A_134 = arith.select %lt3A_132, %broadcast_in_dim3A_131, %select_n3A_106 : vector<256x1xi1>, vector<256x1xi32>
    %get3A_135 = arith.constant 0 : index
    %get3A_136 = arith.constant 2560 : index
    %get3A_137 = vector.load %arg2[%get3A_135, %get3A_136] : memref<256x8192xf32, #tpu.memory_space<vmem>>, vector<256x512xf32>
    %dot_general3A_138 = arith.constant dense<0.000000e+00> : vector<256x512xf32>
    %dot_general3A_139 = tpu.matmul %get3A_3, %get3A_137, %dot_general3A_138 {dimension_numbers = #tpu.dot_dimension_numbers<[1], [0], [0], [1], [0, 0, 1, 1], [], []>, transpose_lhs_hint = false} : vector<256x256xf32>, vector<256x512xf32>, vector<256x512xf32> -> vector<256x512xf32>
    %get3A_140 = arith.constant 0 : index
    %get3A_141 = arith.constant 2560 : index
    %get3A_142 = vector.load %arg5[%get3A_140, %get3A_141] : memref<1x8192xf32, #tpu.memory_space<vmem>>, vector<1x512xf32>
    %add3A_143 = vector.broadcast %get3A_142 : vector<1x512xf32> to vector<256x512xf32>
    %add3A_144 = arith.addf %dot_general3A_139, %add3A_143 : vector<256x512xf32>
    %reduce_min3A_145 = arith.constant dense<0x7F800000> : vector<256xf32>
    %reduce_min3A_146 = vector.multi_reduction <minimumf>, %add3A_144, %reduce_min3A_145 [1] : vector<256x512xf32> to vector<256xf32>
    %broadcast_in_dim3A_147 = vector.shape_cast %reduce_min3A_146 : vector<256xf32> to vector<256x1xf32>
    %iota3A_148 = tpu.iota {dimensions = array<i32: 1>} : vector<256x512xi32>
    %add3A_149 = arith.constant 2560 : i32
    %add3A_150 = vector.broadcast %add3A_149 : i32 to vector<256x512xi32>
    %add3A_151 = arith.addi %iota3A_148, %add3A_150 : vector<256x512xi32>
    %eq3A_152 = vector.broadcast %broadcast_in_dim3A_147 : vector<256x1xf32> to vector<256x512xf32>
    %eq3A_153 = arith.cmpf oeq, %add3A_144, %eq3A_152 : vector<256x512xf32>
    %jit3A_154 = arith.constant 2147483647 : i32
    %broadcast_in_dim3A_155 = vector.broadcast %jit3A_154 : i32 to vector<256x512xi32>
    %select_n3A_156 = arith.select %eq3A_153, %add3A_151, %broadcast_in_dim3A_155 : vector<256x512xi1>, vector<256x512xi32>
    %reduce_min3A_157 = arith.constant dense<2147483647> : vector<256xi32>
    %reduce_min3A_158 = vector.multi_reduction <minsi>, %select_n3A_156, %reduce_min3A_157 [1] : vector<256x512xi32> to vector<256xi32>
    %broadcast_in_dim3A_159 = vector.shape_cast %reduce_min3A_158 : vector<256xi32> to vector<256x1xi32>
    %lt3A_160 = arith.cmpf olt, %broadcast_in_dim3A_147, %select_n3A_133 : vector<256x1xf32>
    %select_n3A_161 = arith.select %lt3A_160, %broadcast_in_dim3A_147, %select_n3A_133 : vector<256x1xi1>, vector<256x1xf32>
    %select_n3A_162 = arith.select %lt3A_160, %broadcast_in_dim3A_159, %select_n3A_134 : vector<256x1xi1>, vector<256x1xi32>
    %get3A_163 = arith.constant 0 : index
    %get3A_164 = arith.constant 3072 : index
    %get3A_165 = vector.load %arg2[%get3A_163, %get3A_164] : memref<256x8192xf32, #tpu.memory_space<vmem>>, vector<256x512xf32>
    %dot_general3A_166 = arith.constant dense<0.000000e+00> : vector<256x512xf32>
    %dot_general3A_167 = tpu.matmul %get3A_3, %get3A_165, %dot_general3A_166 {dimension_numbers = #tpu.dot_dimension_numbers<[1], [0], [0], [1], [0, 0, 1, 1], [], []>, transpose_lhs_hint = false} : vector<256x256xf32>, vector<256x512xf32>, vector<256x512xf32> -> vector<256x512xf32>
    %get3A_168 = arith.constant 0 : index
    %get3A_169 = arith.constant 3072 : index
    %get3A_170 = vector.load %arg5[%get3A_168, %get3A_169] : memref<1x8192xf32, #tpu.memory_space<vmem>>, vector<1x512xf32>
    %add3A_171 = vector.broadcast %get3A_170 : vector<1x512xf32> to vector<256x512xf32>
    %add3A_172 = arith.addf %dot_general3A_167, %add3A_171 : vector<256x512xf32>
    %reduce_min3A_173 = arith.constant dense<0x7F800000> : vector<256xf32>
    %reduce_min3A_174 = vector.multi_reduction <minimumf>, %add3A_172, %reduce_min3A_173 [1] : vector<256x512xf32> to vector<256xf32>
    %broadcast_in_dim3A_175 = vector.shape_cast %reduce_min3A_174 : vector<256xf32> to vector<256x1xf32>
    %iota3A_176 = tpu.iota {dimensions = array<i32: 1>} : vector<256x512xi32>
    %add3A_177 = arith.constant 3072 : i32
    %add3A_178 = vector.broadcast %add3A_177 : i32 to vector<256x512xi32>
    %add3A_179 = arith.addi %iota3A_176, %add3A_178 : vector<256x512xi32>
    %eq3A_180 = vector.broadcast %broadcast_in_dim3A_175 : vector<256x1xf32> to vector<256x512xf32>
    %eq3A_181 = arith.cmpf oeq, %add3A_172, %eq3A_180 : vector<256x512xf32>
    %jit3A_182 = arith.constant 2147483647 : i32
    %broadcast_in_dim3A_183 = vector.broadcast %jit3A_182 : i32 to vector<256x512xi32>
    %select_n3A_184 = arith.select %eq3A_181, %add3A_179, %broadcast_in_dim3A_183 : vector<256x512xi1>, vector<256x512xi32>
    %reduce_min3A_185 = arith.constant dense<2147483647> : vector<256xi32>
    %reduce_min3A_186 = vector.multi_reduction <minsi>, %select_n3A_184, %reduce_min3A_185 [1] : vector<256x512xi32> to vector<256xi32>
    %broadcast_in_dim3A_187 = vector.shape_cast %reduce_min3A_186 : vector<256xi32> to vector<256x1xi32>
    %lt3A_188 = arith.cmpf olt, %broadcast_in_dim3A_175, %select_n3A_161 : vector<256x1xf32>
    %select_n3A_189 = arith.select %lt3A_188, %broadcast_in_dim3A_175, %select_n3A_161 : vector<256x1xi1>, vector<256x1xf32>
    %select_n3A_190 = arith.select %lt3A_188, %broadcast_in_dim3A_187, %select_n3A_162 : vector<256x1xi1>, vector<256x1xi32>
    %get3A_191 = arith.constant 0 : index
    %get3A_192 = arith.constant 3584 : index
    %get3A_193 = vector.load %arg2[%get3A_191, %get3A_192] : memref<256x8192xf32, #tpu.memory_space<vmem>>, vector<256x512xf32>
    %dot_general3A_194 = arith.constant dense<0.000000e+00> : vector<256x512xf32>
    %dot_general3A_195 = tpu.matmul %get3A_3, %get3A_193, %dot_general3A_194 {dimension_numbers = #tpu.dot_dimension_numbers<[1], [0], [0], [1], [0, 0, 1, 1], [], []>, transpose_lhs_hint = false} : vector<256x256xf32>, vector<256x512xf32>, vector<256x512xf32> -> vector<256x512xf32>
    %get3A_196 = arith.constant 0 : index
    %get3A_197 = arith.constant 3584 : index
    %get3A_198 = vector.load %arg5[%get3A_196, %get3A_197] : memref<1x8192xf32, #tpu.memory_space<vmem>>, vector<1x512xf32>
    %add3A_199 = vector.broadcast %get3A_198 : vector<1x512xf32> to vector<256x512xf32>
    %add3A_200 = arith.addf %dot_general3A_195, %add3A_199 : vector<256x512xf32>
    %reduce_min3A_201 = arith.constant dense<0x7F800000> : vector<256xf32>
    %reduce_min3A_202 = vector.multi_reduction <minimumf>, %add3A_200, %reduce_min3A_201 [1] : vector<256x512xf32> to vector<256xf32>
    %broadcast_in_dim3A_203 = vector.shape_cast %reduce_min3A_202 : vector<256xf32> to vector<256x1xf32>
    %iota3A_204 = tpu.iota {dimensions = array<i32: 1>} : vector<256x512xi32>
    %add3A_205 = arith.constant 3584 : i32
    %add3A_206 = vector.broadcast %add3A_205 : i32 to vector<256x512xi32>
    %add3A_207 = arith.addi %iota3A_204, %add3A_206 : vector<256x512xi32>
    %eq3A_208 = vector.broadcast %broadcast_in_dim3A_203 : vector<256x1xf32> to vector<256x512xf32>
    %eq3A_209 = arith.cmpf oeq, %add3A_200, %eq3A_208 : vector<256x512xf32>
    %jit3A_210 = arith.constant 2147483647 : i32
    %broadcast_in_dim3A_211 = vector.broadcast %jit3A_210 : i32 to vector<256x512xi32>
    %select_n3A_212 = arith.select %eq3A_209, %add3A_207, %broadcast_in_dim3A_211 : vector<256x512xi1>, vector<256x512xi32>
    %reduce_min3A_213 = arith.constant dense<2147483647> : vector<256xi32>
    %reduce_min3A_214 = vector.multi_reduction <minsi>, %select_n3A_212, %reduce_min3A_213 [1] : vector<256x512xi32> to vector<256xi32>
    %broadcast_in_dim3A_215 = vector.shape_cast %reduce_min3A_214 : vector<256xi32> to vector<256x1xi32>
    %lt3A_216 = arith.cmpf olt, %broadcast_in_dim3A_203, %select_n3A_189 : vector<256x1xf32>
    %select_n3A_217 = arith.select %lt3A_216, %broadcast_in_dim3A_203, %select_n3A_189 : vector<256x1xi1>, vector<256x1xf32>
    %select_n3A_218 = arith.select %lt3A_216, %broadcast_in_dim3A_215, %select_n3A_190 : vector<256x1xi1>, vector<256x1xi32>
    %get3A_219 = arith.constant 0 : index
    %get3A_220 = arith.constant 4096 : index
    %get3A_221 = vector.load %arg2[%get3A_219, %get3A_220] : memref<256x8192xf32, #tpu.memory_space<vmem>>, vector<256x512xf32>
    %dot_general3A_222 = arith.constant dense<0.000000e+00> : vector<256x512xf32>
    %dot_general3A_223 = tpu.matmul %get3A_3, %get3A_221, %dot_general3A_222 {dimension_numbers = #tpu.dot_dimension_numbers<[1], [0], [0], [1], [0, 0, 1, 1], [], []>, transpose_lhs_hint = false} : vector<256x256xf32>, vector<256x512xf32>, vector<256x512xf32> -> vector<256x512xf32>
    %get3A_224 = arith.constant 0 : index
    %get3A_225 = arith.constant 4096 : index
    %get3A_226 = vector.load %arg5[%get3A_224, %get3A_225] : memref<1x8192xf32, #tpu.memory_space<vmem>>, vector<1x512xf32>
    %add3A_227 = vector.broadcast %get3A_226 : vector<1x512xf32> to vector<256x512xf32>
    %add3A_228 = arith.addf %dot_general3A_223, %add3A_227 : vector<256x512xf32>
    %reduce_min3A_229 = arith.constant dense<0x7F800000> : vector<256xf32>
    %reduce_min3A_230 = vector.multi_reduction <minimumf>, %add3A_228, %reduce_min3A_229 [1] : vector<256x512xf32> to vector<256xf32>
    %broadcast_in_dim3A_231 = vector.shape_cast %reduce_min3A_230 : vector<256xf32> to vector<256x1xf32>
    %iota3A_232 = tpu.iota {dimensions = array<i32: 1>} : vector<256x512xi32>
    %add3A_233 = arith.constant 4096 : i32
    %add3A_234 = vector.broadcast %add3A_233 : i32 to vector<256x512xi32>
    %add3A_235 = arith.addi %iota3A_232, %add3A_234 : vector<256x512xi32>
    %eq3A_236 = vector.broadcast %broadcast_in_dim3A_231 : vector<256x1xf32> to vector<256x512xf32>
    %eq3A_237 = arith.cmpf oeq, %add3A_228, %eq3A_236 : vector<256x512xf32>
    %jit3A_238 = arith.constant 2147483647 : i32
    %broadcast_in_dim3A_239 = vector.broadcast %jit3A_238 : i32 to vector<256x512xi32>
    %select_n3A_240 = arith.select %eq3A_237, %add3A_235, %broadcast_in_dim3A_239 : vector<256x512xi1>, vector<256x512xi32>
    %reduce_min3A_241 = arith.constant dense<2147483647> : vector<256xi32>
    %reduce_min3A_242 = vector.multi_reduction <minsi>, %select_n3A_240, %reduce_min3A_241 [1] : vector<256x512xi32> to vector<256xi32>
    %broadcast_in_dim3A_243 = vector.shape_cast %reduce_min3A_242 : vector<256xi32> to vector<256x1xi32>
    %lt3A_244 = arith.cmpf olt, %broadcast_in_dim3A_231, %select_n3A_217 : vector<256x1xf32>
    %select_n3A_245 = arith.select %lt3A_244, %broadcast_in_dim3A_231, %select_n3A_217 : vector<256x1xi1>, vector<256x1xf32>
    %select_n3A_246 = arith.select %lt3A_244, %broadcast_in_dim3A_243, %select_n3A_218 : vector<256x1xi1>, vector<256x1xi32>
    %get3A_247 = arith.constant 0 : index
    %get3A_248 = arith.constant 4608 : index
    %get3A_249 = vector.load %arg2[%get3A_247, %get3A_248] : memref<256x8192xf32, #tpu.memory_space<vmem>>, vector<256x512xf32>
    %dot_general3A_250 = arith.constant dense<0.000000e+00> : vector<256x512xf32>
    %dot_general3A_251 = tpu.matmul %get3A_3, %get3A_249, %dot_general3A_250 {dimension_numbers = #tpu.dot_dimension_numbers<[1], [0], [0], [1], [0, 0, 1, 1], [], []>, transpose_lhs_hint = false} : vector<256x256xf32>, vector<256x512xf32>, vector<256x512xf32> -> vector<256x512xf32>
    %get3A_252 = arith.constant 0 : index
    %get3A_253 = arith.constant 4608 : index
    %get3A_254 = vector.load %arg5[%get3A_252, %get3A_253] : memref<1x8192xf32, #tpu.memory_space<vmem>>, vector<1x512xf32>
    %add3A_255 = vector.broadcast %get3A_254 : vector<1x512xf32> to vector<256x512xf32>
    %add3A_256 = arith.addf %dot_general3A_251, %add3A_255 : vector<256x512xf32>
    %reduce_min3A_257 = arith.constant dense<0x7F800000> : vector<256xf32>
    %reduce_min3A_258 = vector.multi_reduction <minimumf>, %add3A_256, %reduce_min3A_257 [1] : vector<256x512xf32> to vector<256xf32>
    %broadcast_in_dim3A_259 = vector.shape_cast %reduce_min3A_258 : vector<256xf32> to vector<256x1xf32>
    %iota3A_260 = tpu.iota {dimensions = array<i32: 1>} : vector<256x512xi32>
    %add3A_261 = arith.constant 4608 : i32
    %add3A_262 = vector.broadcast %add3A_261 : i32 to vector<256x512xi32>
    %add3A_263 = arith.addi %iota3A_260, %add3A_262 : vector<256x512xi32>
    %eq3A_264 = vector.broadcast %broadcast_in_dim3A_259 : vector<256x1xf32> to vector<256x512xf32>
    %eq3A_265 = arith.cmpf oeq, %add3A_256, %eq3A_264 : vector<256x512xf32>
    %jit3A_266 = arith.constant 2147483647 : i32
    %broadcast_in_dim3A_267 = vector.broadcast %jit3A_266 : i32 to vector<256x512xi32>
    %select_n3A_268 = arith.select %eq3A_265, %add3A_263, %broadcast_in_dim3A_267 : vector<256x512xi1>, vector<256x512xi32>
    %reduce_min3A_269 = arith.constant dense<2147483647> : vector<256xi32>
    %reduce_min3A_270 = vector.multi_reduction <minsi>, %select_n3A_268, %reduce_min3A_269 [1] : vector<256x512xi32> to vector<256xi32>
    %broadcast_in_dim3A_271 = vector.shape_cast %reduce_min3A_270 : vector<256xi32> to vector<256x1xi32>
    %lt3A_272 = arith.cmpf olt, %broadcast_in_dim3A_259, %select_n3A_245 : vector<256x1xf32>
    %select_n3A_273 = arith.select %lt3A_272, %broadcast_in_dim3A_259, %select_n3A_245 : vector<256x1xi1>, vector<256x1xf32>
    %select_n3A_274 = arith.select %lt3A_272, %broadcast_in_dim3A_271, %select_n3A_246 : vector<256x1xi1>, vector<256x1xi32>
    %get3A_275 = arith.constant 0 : index
    %get3A_276 = arith.constant 5120 : index
    %get3A_277 = vector.load %arg2[%get3A_275, %get3A_276] : memref<256x8192xf32, #tpu.memory_space<vmem>>, vector<256x512xf32>
    %dot_general3A_278 = arith.constant dense<0.000000e+00> : vector<256x512xf32>
    %dot_general3A_279 = tpu.matmul %get3A_3, %get3A_277, %dot_general3A_278 {dimension_numbers = #tpu.dot_dimension_numbers<[1], [0], [0], [1], [0, 0, 1, 1], [], []>, transpose_lhs_hint = false} : vector<256x256xf32>, vector<256x512xf32>, vector<256x512xf32> -> vector<256x512xf32>
    %get3A_280 = arith.constant 0 : index
    %get3A_281 = arith.constant 5120 : index
    %get3A_282 = vector.load %arg5[%get3A_280, %get3A_281] : memref<1x8192xf32, #tpu.memory_space<vmem>>, vector<1x512xf32>
    %add3A_283 = vector.broadcast %get3A_282 : vector<1x512xf32> to vector<256x512xf32>
    %add3A_284 = arith.addf %dot_general3A_279, %add3A_283 : vector<256x512xf32>
    %reduce_min3A_285 = arith.constant dense<0x7F800000> : vector<256xf32>
    %reduce_min3A_286 = vector.multi_reduction <minimumf>, %add3A_284, %reduce_min3A_285 [1] : vector<256x512xf32> to vector<256xf32>
    %broadcast_in_dim3A_287 = vector.shape_cast %reduce_min3A_286 : vector<256xf32> to vector<256x1xf32>
    %iota3A_288 = tpu.iota {dimensions = array<i32: 1>} : vector<256x512xi32>
    %add3A_289 = arith.constant 5120 : i32
    %add3A_290 = vector.broadcast %add3A_289 : i32 to vector<256x512xi32>
    %add3A_291 = arith.addi %iota3A_288, %add3A_290 : vector<256x512xi32>
    %eq3A_292 = vector.broadcast %broadcast_in_dim3A_287 : vector<256x1xf32> to vector<256x512xf32>
    %eq3A_293 = arith.cmpf oeq, %add3A_284, %eq3A_292 : vector<256x512xf32>
    %jit3A_294 = arith.constant 2147483647 : i32
    %broadcast_in_dim3A_295 = vector.broadcast %jit3A_294 : i32 to vector<256x512xi32>
    %select_n3A_296 = arith.select %eq3A_293, %add3A_291, %broadcast_in_dim3A_295 : vector<256x512xi1>, vector<256x512xi32>
    %reduce_min3A_297 = arith.constant dense<2147483647> : vector<256xi32>
    %reduce_min3A_298 = vector.multi_reduction <minsi>, %select_n3A_296, %reduce_min3A_297 [1] : vector<256x512xi32> to vector<256xi32>
    %broadcast_in_dim3A_299 = vector.shape_cast %reduce_min3A_298 : vector<256xi32> to vector<256x1xi32>
    %lt3A_300 = arith.cmpf olt, %broadcast_in_dim3A_287, %select_n3A_273 : vector<256x1xf32>
    %select_n3A_301 = arith.select %lt3A_300, %broadcast_in_dim3A_287, %select_n3A_273 : vector<256x1xi1>, vector<256x1xf32>
    %select_n3A_302 = arith.select %lt3A_300, %broadcast_in_dim3A_299, %select_n3A_274 : vector<256x1xi1>, vector<256x1xi32>
    %get3A_303 = arith.constant 0 : index
    %get3A_304 = arith.constant 5632 : index
    %get3A_305 = vector.load %arg2[%get3A_303, %get3A_304] : memref<256x8192xf32, #tpu.memory_space<vmem>>, vector<256x512xf32>
    %dot_general3A_306 = arith.constant dense<0.000000e+00> : vector<256x512xf32>
    %dot_general3A_307 = tpu.matmul %get3A_3, %get3A_305, %dot_general3A_306 {dimension_numbers = #tpu.dot_dimension_numbers<[1], [0], [0], [1], [0, 0, 1, 1], [], []>, transpose_lhs_hint = false} : vector<256x256xf32>, vector<256x512xf32>, vector<256x512xf32> -> vector<256x512xf32>
    %get3A_308 = arith.constant 0 : index
    %get3A_309 = arith.constant 5632 : index
    %get3A_310 = vector.load %arg5[%get3A_308, %get3A_309] : memref<1x8192xf32, #tpu.memory_space<vmem>>, vector<1x512xf32>
    %add3A_311 = vector.broadcast %get3A_310 : vector<1x512xf32> to vector<256x512xf32>
    %add3A_312 = arith.addf %dot_general3A_307, %add3A_311 : vector<256x512xf32>
    %reduce_min3A_313 = arith.constant dense<0x7F800000> : vector<256xf32>
    %reduce_min3A_314 = vector.multi_reduction <minimumf>, %add3A_312, %reduce_min3A_313 [1] : vector<256x512xf32> to vector<256xf32>
    %broadcast_in_dim3A_315 = vector.shape_cast %reduce_min3A_314 : vector<256xf32> to vector<256x1xf32>
    %iota3A_316 = tpu.iota {dimensions = array<i32: 1>} : vector<256x512xi32>
    %add3A_317 = arith.constant 5632 : i32
    %add3A_318 = vector.broadcast %add3A_317 : i32 to vector<256x512xi32>
    %add3A_319 = arith.addi %iota3A_316, %add3A_318 : vector<256x512xi32>
    %eq3A_320 = vector.broadcast %broadcast_in_dim3A_315 : vector<256x1xf32> to vector<256x512xf32>
    %eq3A_321 = arith.cmpf oeq, %add3A_312, %eq3A_320 : vector<256x512xf32>
    %jit3A_322 = arith.constant 2147483647 : i32
    %broadcast_in_dim3A_323 = vector.broadcast %jit3A_322 : i32 to vector<256x512xi32>
    %select_n3A_324 = arith.select %eq3A_321, %add3A_319, %broadcast_in_dim3A_323 : vector<256x512xi1>, vector<256x512xi32>
    %reduce_min3A_325 = arith.constant dense<2147483647> : vector<256xi32>
    %reduce_min3A_326 = vector.multi_reduction <minsi>, %select_n3A_324, %reduce_min3A_325 [1] : vector<256x512xi32> to vector<256xi32>
    %broadcast_in_dim3A_327 = vector.shape_cast %reduce_min3A_326 : vector<256xi32> to vector<256x1xi32>
    %lt3A_328 = arith.cmpf olt, %broadcast_in_dim3A_315, %select_n3A_301 : vector<256x1xf32>
    %select_n3A_329 = arith.select %lt3A_328, %broadcast_in_dim3A_315, %select_n3A_301 : vector<256x1xi1>, vector<256x1xf32>
    %select_n3A_330 = arith.select %lt3A_328, %broadcast_in_dim3A_327, %select_n3A_302 : vector<256x1xi1>, vector<256x1xi32>
    %get3A_331 = arith.constant 0 : index
    %get3A_332 = arith.constant 6144 : index
    %get3A_333 = vector.load %arg2[%get3A_331, %get3A_332] : memref<256x8192xf32, #tpu.memory_space<vmem>>, vector<256x512xf32>
    %dot_general3A_334 = arith.constant dense<0.000000e+00> : vector<256x512xf32>
    %dot_general3A_335 = tpu.matmul %get3A_3, %get3A_333, %dot_general3A_334 {dimension_numbers = #tpu.dot_dimension_numbers<[1], [0], [0], [1], [0, 0, 1, 1], [], []>, transpose_lhs_hint = false} : vector<256x256xf32>, vector<256x512xf32>, vector<256x512xf32> -> vector<256x512xf32>
    %get3A_336 = arith.constant 0 : index
    %get3A_337 = arith.constant 6144 : index
    %get3A_338 = vector.load %arg5[%get3A_336, %get3A_337] : memref<1x8192xf32, #tpu.memory_space<vmem>>, vector<1x512xf32>
    %add3A_339 = vector.broadcast %get3A_338 : vector<1x512xf32> to vector<256x512xf32>
    %add3A_340 = arith.addf %dot_general3A_335, %add3A_339 : vector<256x512xf32>
    %reduce_min3A_341 = arith.constant dense<0x7F800000> : vector<256xf32>
    %reduce_min3A_342 = vector.multi_reduction <minimumf>, %add3A_340, %reduce_min3A_341 [1] : vector<256x512xf32> to vector<256xf32>
    %broadcast_in_dim3A_343 = vector.shape_cast %reduce_min3A_342 : vector<256xf32> to vector<256x1xf32>
    %iota3A_344 = tpu.iota {dimensions = array<i32: 1>} : vector<256x512xi32>
    %add3A_345 = arith.constant 6144 : i32
    %add3A_346 = vector.broadcast %add3A_345 : i32 to vector<256x512xi32>
    %add3A_347 = arith.addi %iota3A_344, %add3A_346 : vector<256x512xi32>
    %eq3A_348 = vector.broadcast %broadcast_in_dim3A_343 : vector<256x1xf32> to vector<256x512xf32>
    %eq3A_349 = arith.cmpf oeq, %add3A_340, %eq3A_348 : vector<256x512xf32>
    %jit3A_350 = arith.constant 2147483647 : i32
    %broadcast_in_dim3A_351 = vector.broadcast %jit3A_350 : i32 to vector<256x512xi32>
    %select_n3A_352 = arith.select %eq3A_349, %add3A_347, %broadcast_in_dim3A_351 : vector<256x512xi1>, vector<256x512xi32>
    %reduce_min3A_353 = arith.constant dense<2147483647> : vector<256xi32>
    %reduce_min3A_354 = vector.multi_reduction <minsi>, %select_n3A_352, %reduce_min3A_353 [1] : vector<256x512xi32> to vector<256xi32>
    %broadcast_in_dim3A_355 = vector.shape_cast %reduce_min3A_354 : vector<256xi32> to vector<256x1xi32>
    %lt3A_356 = arith.cmpf olt, %broadcast_in_dim3A_343, %select_n3A_329 : vector<256x1xf32>
    %select_n3A_357 = arith.select %lt3A_356, %broadcast_in_dim3A_343, %select_n3A_329 : vector<256x1xi1>, vector<256x1xf32>
    %select_n3A_358 = arith.select %lt3A_356, %broadcast_in_dim3A_355, %select_n3A_330 : vector<256x1xi1>, vector<256x1xi32>
    %get3A_359 = arith.constant 0 : index
    %get3A_360 = arith.constant 6656 : index
    %get3A_361 = vector.load %arg2[%get3A_359, %get3A_360] : memref<256x8192xf32, #tpu.memory_space<vmem>>, vector<256x512xf32>
    %dot_general3A_362 = arith.constant dense<0.000000e+00> : vector<256x512xf32>
    %dot_general3A_363 = tpu.matmul %get3A_3, %get3A_361, %dot_general3A_362 {dimension_numbers = #tpu.dot_dimension_numbers<[1], [0], [0], [1], [0, 0, 1, 1], [], []>, transpose_lhs_hint = false} : vector<256x256xf32>, vector<256x512xf32>, vector<256x512xf32> -> vector<256x512xf32>
    %get3A_364 = arith.constant 0 : index
    %get3A_365 = arith.constant 6656 : index
    %get3A_366 = vector.load %arg5[%get3A_364, %get3A_365] : memref<1x8192xf32, #tpu.memory_space<vmem>>, vector<1x512xf32>
    %add3A_367 = vector.broadcast %get3A_366 : vector<1x512xf32> to vector<256x512xf32>
    %add3A_368 = arith.addf %dot_general3A_363, %add3A_367 : vector<256x512xf32>
    %reduce_min3A_369 = arith.constant dense<0x7F800000> : vector<256xf32>
    %reduce_min3A_370 = vector.multi_reduction <minimumf>, %add3A_368, %reduce_min3A_369 [1] : vector<256x512xf32> to vector<256xf32>
    %broadcast_in_dim3A_371 = vector.shape_cast %reduce_min3A_370 : vector<256xf32> to vector<256x1xf32>
    %iota3A_372 = tpu.iota {dimensions = array<i32: 1>} : vector<256x512xi32>
    %add3A_373 = arith.constant 6656 : i32
    %add3A_374 = vector.broadcast %add3A_373 : i32 to vector<256x512xi32>
    %add3A_375 = arith.addi %iota3A_372, %add3A_374 : vector<256x512xi32>
    %eq3A_376 = vector.broadcast %broadcast_in_dim3A_371 : vector<256x1xf32> to vector<256x512xf32>
    %eq3A_377 = arith.cmpf oeq, %add3A_368, %eq3A_376 : vector<256x512xf32>
    %jit3A_378 = arith.constant 2147483647 : i32
    %broadcast_in_dim3A_379 = vector.broadcast %jit3A_378 : i32 to vector<256x512xi32>
    %select_n3A_380 = arith.select %eq3A_377, %add3A_375, %broadcast_in_dim3A_379 : vector<256x512xi1>, vector<256x512xi32>
    %reduce_min3A_381 = arith.constant dense<2147483647> : vector<256xi32>
    %reduce_min3A_382 = vector.multi_reduction <minsi>, %select_n3A_380, %reduce_min3A_381 [1] : vector<256x512xi32> to vector<256xi32>
    %broadcast_in_dim3A_383 = vector.shape_cast %reduce_min3A_382 : vector<256xi32> to vector<256x1xi32>
    %lt3A_384 = arith.cmpf olt, %broadcast_in_dim3A_371, %select_n3A_357 : vector<256x1xf32>
    %select_n3A_385 = arith.select %lt3A_384, %broadcast_in_dim3A_371, %select_n3A_357 : vector<256x1xi1>, vector<256x1xf32>
    %select_n3A_386 = arith.select %lt3A_384, %broadcast_in_dim3A_383, %select_n3A_358 : vector<256x1xi1>, vector<256x1xi32>
    %get3A_387 = arith.constant 0 : index
    %get3A_388 = arith.constant 7168 : index
    %get3A_389 = vector.load %arg2[%get3A_387, %get3A_388] : memref<256x8192xf32, #tpu.memory_space<vmem>>, vector<256x512xf32>
    %dot_general3A_390 = arith.constant dense<0.000000e+00> : vector<256x512xf32>
    %dot_general3A_391 = tpu.matmul %get3A_3, %get3A_389, %dot_general3A_390 {dimension_numbers = #tpu.dot_dimension_numbers<[1], [0], [0], [1], [0, 0, 1, 1], [], []>, transpose_lhs_hint = false} : vector<256x256xf32>, vector<256x512xf32>, vector<256x512xf32> -> vector<256x512xf32>
    %get3A_392 = arith.constant 0 : index
    %get3A_393 = arith.constant 7168 : index
    %get3A_394 = vector.load %arg5[%get3A_392, %get3A_393] : memref<1x8192xf32, #tpu.memory_space<vmem>>, vector<1x512xf32>
    %add3A_395 = vector.broadcast %get3A_394 : vector<1x512xf32> to vector<256x512xf32>
    %add3A_396 = arith.addf %dot_general3A_391, %add3A_395 : vector<256x512xf32>
    %reduce_min3A_397 = arith.constant dense<0x7F800000> : vector<256xf32>
    %reduce_min3A_398 = vector.multi_reduction <minimumf>, %add3A_396, %reduce_min3A_397 [1] : vector<256x512xf32> to vector<256xf32>
    %broadcast_in_dim3A_399 = vector.shape_cast %reduce_min3A_398 : vector<256xf32> to vector<256x1xf32>
    %iota3A_400 = tpu.iota {dimensions = array<i32: 1>} : vector<256x512xi32>
    %add3A_401 = arith.constant 7168 : i32
    %add3A_402 = vector.broadcast %add3A_401 : i32 to vector<256x512xi32>
    %add3A_403 = arith.addi %iota3A_400, %add3A_402 : vector<256x512xi32>
    %eq3A_404 = vector.broadcast %broadcast_in_dim3A_399 : vector<256x1xf32> to vector<256x512xf32>
    %eq3A_405 = arith.cmpf oeq, %add3A_396, %eq3A_404 : vector<256x512xf32>
    %jit3A_406 = arith.constant 2147483647 : i32
    %broadcast_in_dim3A_407 = vector.broadcast %jit3A_406 : i32 to vector<256x512xi32>
    %select_n3A_408 = arith.select %eq3A_405, %add3A_403, %broadcast_in_dim3A_407 : vector<256x512xi1>, vector<256x512xi32>
    %reduce_min3A_409 = arith.constant dense<2147483647> : vector<256xi32>
    %reduce_min3A_410 = vector.multi_reduction <minsi>, %select_n3A_408, %reduce_min3A_409 [1] : vector<256x512xi32> to vector<256xi32>
    %broadcast_in_dim3A_411 = vector.shape_cast %reduce_min3A_410 : vector<256xi32> to vector<256x1xi32>
    %lt3A_412 = arith.cmpf olt, %broadcast_in_dim3A_399, %select_n3A_385 : vector<256x1xf32>
    %select_n3A_413 = arith.select %lt3A_412, %broadcast_in_dim3A_399, %select_n3A_385 : vector<256x1xi1>, vector<256x1xf32>
    %select_n3A_414 = arith.select %lt3A_412, %broadcast_in_dim3A_411, %select_n3A_386 : vector<256x1xi1>, vector<256x1xi32>
    %get3A_415 = arith.constant 0 : index
    %get3A_416 = arith.constant 7680 : index
    %get3A_417 = vector.load %arg2[%get3A_415, %get3A_416] : memref<256x8192xf32, #tpu.memory_space<vmem>>, vector<256x512xf32>
    %dot_general3A_418 = arith.constant dense<0.000000e+00> : vector<256x512xf32>
    %dot_general3A_419 = tpu.matmul %get3A_3, %get3A_417, %dot_general3A_418 {dimension_numbers = #tpu.dot_dimension_numbers<[1], [0], [0], [1], [0, 0, 1, 1], [], []>, transpose_lhs_hint = false} : vector<256x256xf32>, vector<256x512xf32>, vector<256x512xf32> -> vector<256x512xf32>
    %get3A_420 = arith.constant 0 : index
    %get3A_421 = arith.constant 7680 : index
    %get3A_422 = vector.load %arg5[%get3A_420, %get3A_421] : memref<1x8192xf32, #tpu.memory_space<vmem>>, vector<1x512xf32>
    %add3A_423 = vector.broadcast %get3A_422 : vector<1x512xf32> to vector<256x512xf32>
    %add3A_424 = arith.addf %dot_general3A_419, %add3A_423 : vector<256x512xf32>
    %reduce_min3A_425 = arith.constant dense<0x7F800000> : vector<256xf32>
    %reduce_min3A_426 = vector.multi_reduction <minimumf>, %add3A_424, %reduce_min3A_425 [1] : vector<256x512xf32> to vector<256xf32>
    %broadcast_in_dim3A_427 = vector.shape_cast %reduce_min3A_426 : vector<256xf32> to vector<256x1xf32>
    %iota3A_428 = tpu.iota {dimensions = array<i32: 1>} : vector<256x512xi32>
    %add3A_429 = arith.constant 7680 : i32
    %add3A_430 = vector.broadcast %add3A_429 : i32 to vector<256x512xi32>
    %add3A_431 = arith.addi %iota3A_428, %add3A_430 : vector<256x512xi32>
    %eq3A_432 = vector.broadcast %broadcast_in_dim3A_427 : vector<256x1xf32> to vector<256x512xf32>
    %eq3A_433 = arith.cmpf oeq, %add3A_424, %eq3A_432 : vector<256x512xf32>
    %jit3A_434 = arith.constant 2147483647 : i32
    %broadcast_in_dim3A_435 = vector.broadcast %jit3A_434 : i32 to vector<256x512xi32>
    %select_n3A_436 = arith.select %eq3A_433, %add3A_431, %broadcast_in_dim3A_435 : vector<256x512xi1>, vector<256x512xi32>
    %reduce_min3A_437 = arith.constant dense<2147483647> : vector<256xi32>
    %reduce_min3A_438 = vector.multi_reduction <minsi>, %select_n3A_436, %reduce_min3A_437 [1] : vector<256x512xi32> to vector<256xi32>
    %broadcast_in_dim3A_439 = vector.shape_cast %reduce_min3A_438 : vector<256xi32> to vector<256x1xi32>
    %lt3A_440 = arith.cmpf olt, %broadcast_in_dim3A_427, %select_n3A_413 : vector<256x1xf32>
    %select_n3A_441 = arith.select %lt3A_440, %broadcast_in_dim3A_427, %select_n3A_413 : vector<256x1xi1>, vector<256x1xf32>
    %select_n3A_442 = arith.select %lt3A_440, %broadcast_in_dim3A_439, %select_n3A_414 : vector<256x1xi1>, vector<256x1xi32>
    %swap3A = arith.constant 0 : index
    %swap3A_443 = arith.constant 0 : index
    %swap3A_444 = vector.load %arg3[%swap3A, %swap3A_443] : memref<256x1xi32, #tpu.memory_space<vmem>>, vector<256x1xi32>
    tpu.vector_store %arg3[%swap3A, %swap3A_443], %select_n3A_442 {strides = array<i32>} : memref<256x1xi32, #tpu.memory_space<vmem>>, vector<256x1xi32>,
    %get3A_445 = arith.constant 0 : index
    %get3A_446 = arith.constant 0 : index
    %get3A_447 = memref.load %arg6[%get3A_445, %get3A_446] : memref<1x1xf32, #tpu.memory_space<smem>>
    %add3A_448 = arith.addf %select_n3A_441, %broadcast_in_dim3A : vector<256x1xf32>
    %reduce_sum3A_449 = vector.shape_cast %add3A_448 : vector<256x1xf32> to vector<1x256x1xf32>
    %reduce_sum3A_450 = arith.constant dense<0.000000e+00> : vector<1xf32>
    %reduce_sum3A_451 = vector.multi_reduction <add>, %reduce_sum3A_449, %reduce_sum3A_450 [1, 2] : vector<1x256x1xf32> to vector<1xf32>
    %reduce_sum3A_452 = vector.shape_cast %reduce_sum3A_451 : vector<1xf32> to vector<1x1x1xf32>
    %reduce_sum3A_453 = vector.extract %reduce_sum3A_452[0, 0, 0] : f32 from vector<1x1x1xf32>
    %add3A_454 = arith.addf %get3A_447, %reduce_sum3A_453 : f32
    %swap3A_455 = arith.constant 0 : index
    %swap3A_456 = arith.constant 0 : index
    %swap3A_457 = memref.load %arg6[%swap3A_455, %swap3A_456] : memref<1x1xf32, #tpu.memory_space<smem>>
    memref.store %add3A_454, %arg6[%swap3A_455, %swap3A_456] : memref<1x1xf32, #tpu.memory_space<smem>>
    %eq3A_458 = arith.constant 63 : i32
    %eq3A_459 = arith.cmpi eq, %arg0, %eq3A_458 : i32
    %convert_element_type3A_460 = arith.extui %eq3A_459 : i1 to i32
    %cond3A_461 = arith.constant 0 : i32
    %cond3A_462 = arith.cmpi ne, %convert_element_type3A_460, %cond3A_461 : i32
    scf.if %cond3A_462 {
      %get3A_463 = arith.constant 0 : index
      %get3A_464 = arith.constant 0 : index
      %get3A_465 = memref.load %arg6[%get3A_463, %get3A_464] : memref<1x1xf32, #tpu.memory_space<smem>>
      %swap3A_466 = arith.constant 0 : index
      %swap3A_467 = arith.constant 0 : index
      %swap3A_468 = memref.load %arg4[%swap3A_466, %swap3A_467] : memref<1x1xf32, #tpu.memory_space<smem>>
      memref.store %get3A_465, %arg4[%swap3A_466, %swap3A_467] : memref<1x1xf32, #tpu.memory_space<smem>>
    } else {
    }
    return
  }
  func.func @transform_0(%arg0: i32) -> (i32, i32) {
    %c0_i32 = arith.constant 0 : i32
    %c0_i32_0 = arith.constant 0 : i32
    return %arg0, %c0_i32 : i32, i32
  }
  func.func @transform_1(%arg0: i32) -> (i32, i32) {
    %c0_i32 = arith.constant 0 : i32
    %c0_i32_0 = arith.constant 0 : i32
    %c0_i32_1 = arith.constant 0 : i32
    return %c0_i32, %c0_i32_0 : i32, i32
  }
  func.func @transform_2(%arg0: i32) -> (i32, i32) {
    %c0_i32 = arith.constant 0 : i32
    %c0_i32_0 = arith.constant 0 : i32
    return %arg0, %c0_i32 : i32, i32
  }
  func.func @transform_3(%arg0: i32) -> (i32, i32) {
    %c0_i32 = arith.constant 0 : i32
    %c0_i32_0 = arith.constant 0 : i32
    %c0_i32_1 = arith.constant 0 : i32
    return %c0_i32, %c0_i32_0 : i32, i32
  }
}

</mosaic_0001>

<sc_bundles>
// kernel: kernel.4.cloned.1.call-start
scs
__scs_entry_jumppad:
0x0: {  	(pc) =	sbr.rel $0x88, $3  }
0x1: {  	(tag) =	ssettag $0x0;
	lr =	simm.s32 $0x1  }
0x2: {  	[smem:$0x3F9E] =	sst lr;
	_ =	strace $0xD0000000  }
0x3: {  	_ = 	snop  }
0x4: {  	_ = 	snop  }
0x5: {  	_ = 	snop  }
0x6: {  	_ = 	snop  }
0x7: {  	_ = 	snop  }
__scs_overlays_trampoline_lowered:
0x8: {  	[smem:$0x3FAD] =	sst s0  }
0x9: {  	[smem:$0x3FAE] =	sst s1  }
0xa: {  	[smem:$0x3FAF] =	sst s2  }
0xb: {  	[smem:$0x3FB0] =	sst s3  }
0xc: {  	[smem:$0x3FB1] =	sst s4  }
0xd: {  	[smem:$0x3FB2] =	sst s5  }
0xe: {  	[smem:$0x3FB3] =	sst s6  }
0xf: {  	[smem:$0x3FB4] =	sst s7  }
0x10: {  	[smem:$0x3FB5] =	sst s8  }
0x11: {  	[smem:$0x3FB6] =	sst s9;
	s0 =	simm.s32 @!p0 $0x0  }
0x12: {  	s1 =	sld [smem:$0x3F9C];
	s0 =	simm.s32 @p0 $0x1  }
0x13: {  	[smem:$0x3FB7] =	sst s0;
	s0 =	simm.s32 @!p1 $0x0  }
0x14: {  	s2 =	sld [smem:$0x3F9B];
	s0 =	simm.s32 @p1 $0x1  }
0x15: {  	[smem:$0x3FB8] =	sst s0;
	s0 =	simm.s32 @!p2 $0x0  }
0x16: {  	s3 =	sld [smem:$0x3FDB];
	s0 =	simm.s32 @p2 $0x1  }
0x17: {  	s4 =	simm.s32 $0x1BF5;
	[smem:$0x3FBA] =	sst s0  }
0x18: {  	s0 =	sld [smem:$0x3F9D];
	_ =	swait.ge [sflag:s4], $0x0  }
0x19: {  	s7 =	sld [smem:$0x3F9E]  }
0x1a: {  	s8 =	sadd.s32 $0xFFFFE003, lr  }
0x1b: {  	s9 =	sadd.s32 $0xFFFFFEF7, lr;
	s5 =	simm.s32 $0xFFFFFFFF;
	p2 =	slt.u32 s8, $0xFFFFF086  }
0x1c: {  	p1 =	slt.u32 s9, $0xF7A;
	s5 =	simm.s32 @!p2 $0x0  }
0x1d: {  	s5 =	simm.s32 @p1 $0x1;
	p0 =	seq.s32 s7, s2  }
0x1e: {  	s7 =	smul.u32 @!p0 $0xF7A, s2;
	p2 =	seq.s32 @!p0 s5, $0x0  }
0x1f: {  	s9 =	smul.u32 $0xF7A, s1;
	s8 =	simm.s32 @!p0 $0x1BF5;
	p2 =	por !p2, p0  }
0x20: {  	[sflag:s8] =	ssyncset.s32 @!p0 $0xFFFFF086;
	s6 =	sadd.s32 @!p0 s3, s7;
	s7 =	simm.s32 @!p0 $0x108  }
0x21: {  	s3 =	sadd.s32 s3, s9;
	s6 =	sadd.s32 @!p0 $0x88, s6;
	s7 =	simm.s32 @p2 $0x1082  }
0x22: {  	[simem:s7], [sflag:s8] =	dma.local @!p0 [hbm:s6], $0xF7A  }
0x23: {  	s9 =	sor.u32 $0xD0000000, s2;
	s6 =	simm.s32 $0x108;
	_ =	swait.ge @!p0 [sflag:s8], $0x0  }
0x24: {  	s3 =	sadd.s32 $0x88, s3;
	s6 =	simm.s32 @!p1 $0x1082;
	[sflag:s4] =	ssyncset.s32 $0xFFFFF086  }
0x25: {  	[simem:s6], [sflag:s4] =	dma.local [hbm:s3], $0xF7A  }
0x26: {  	[smem:$0x3F9E] =	sst s1;
	(tag) =	ssettag s2;
	_ =	strace s9  }
0x27: {  	s1 =	sld [smem:$0x3FAE]  }
0x28: {  	s2 =	sld [smem:$0x3FAF]  }
0x29: {  	s4 =	sld [smem:$0x3FB1]  }
0x2a: {  	p0 =	seq.s32 s5, $0x0;
	s5 =	sld [smem:$0x3FB2]  }
0x2b: {  	s6 =	sld [smem:$0x3FB3]  }
0x2c: {  	s7 =	sld [smem:$0x3FB4]  }
0x2d: {  	s3 =	simm.s32 $0x108;
	s8 =	sld [smem:$0x3FB5]  }
0x2e: {  	s3 =	simm.s32 @!p0 $0x1082;
	s9 =	sld [smem:$0x3FB6]  }
0x2f: {  	lr =	sadd.s32 s0, s3;
	s0 =	sld [smem:$0x3FAD]  }
0x30: {  	s3 =	sld [smem:$0x3FB0]  }
0x31: {  	[smem:$0x3FB9] =	sst s10  }
0x32: {  	s10 =	sld [smem:$0x3FB7];
	_ =	sdelay $0x3  }
0x33: {  	p0 =	seq.s32 s10, $0x1;
	s10 =	sld [smem:$0x3FB9];
	_ =	sdelay $0x3  }
0x34: {  	[smem:$0x3FB9] =	sst s10  }
0x35: {  	s10 =	sld [smem:$0x3FB8];
	_ =	sdelay $0x3  }
0x36: {  	p1 =	seq.s32 s10, $0x1;
	s10 =	sld [smem:$0x3FB9];
	_ =	sdelay $0x3  }
0x37: {  	[smem:$0x3FB9] =	sst s10  }
0x38: {  	s10 =	sld [smem:$0x3FBA]  }
0x39: {  	_ = 	snop;
	(pc) =	sbr.ind lr, $3  }
0x3a: {  	_ = 	snop  }
0x3b: {  	_ = 	snop  }
0x3c: {  	p2 =	seq.s32 s10, $0x1;
	s10 =	sld [smem:$0x3FB9]  }
0x3d: {  	_ =	shalt  }
0x3e: {  	_ =	shalt  }
0x3f: {  	_ =	shalt  }
0x40: {  	_ =	shalt  }
0x41: {  	_ =	shalt  }
0x42: {  	_ =	shalt  }
0x43: {  	_ =	shalt  }
0x44: {  	_ =	shalt  }
0x45: {  	_ =	shalt  }
0x46: {  	_ =	shalt  }
0x47: {  	_ =	shalt  }
0x48: {  	_ =	shalt  }
0x49: {  	_ =	shalt  }
0x4a: {  	_ =	shalt  }
0x4b: {  	_ =	shalt  }
0x4c: {  	_ =	shalt  }
0x4d: {  	_ =	shalt  }
0x4e: {  	_ =	shalt  }
0x4f: {  	_ =	shalt  }
0x50: {  	_ =	shalt  }
0x51: {  	_ =	shalt  }
0x52: {  	_ =	shalt  }
0x53: {  	_ =	shalt  }
0x54: {  	_ =	shalt  }
0x55: {  	_ =	shalt  }
0x56: {  	_ =	shalt  }
0x57: {  	_ =	shalt  }
0x58: {  	_ =	shalt  }
0x59: {  	_ =	shalt  }
0x5a: {  	_ =	shalt  }
0x5b: {  	_ =	shalt  }
0x5c: {  	_ =	shalt  }
0x5d: {  	_ =	shalt  }
0x5e: {  	_ =	shalt  }
0x5f: {  	_ =	shalt  }
0x60: {  	_ =	shalt  }
0x61: {  	_ =	shalt  }
0x62: {  	_ =	shalt  }
0x63: {  	_ =	shalt  }
0x64: {  	_ =	shalt  }
0x65: {  	_ =	shalt  }
0x66: {  	_ =	shalt  }
0x67: {  	_ =	shalt  }
0x68: {  	_ =	shalt  }
0x69: {  	_ =	shalt  }
0x6a: {  	_ =	shalt  }
0x6b: {  	_ =	shalt  }
0x6c: {  	_ =	shalt  }
0x6d: {  	_ =	shalt  }
0x6e: {  	_ =	shalt  }
0x6f: {  	_ =	shalt  }
0x70: {  	_ =	shalt  }
0x71: {  	_ =	shalt  }
0x72: {  	_ =	shalt  }
0x73: {  	_ =	shalt  }
0x74: {  	_ =	shalt  }
0x75: {  	_ =	shalt  }
0x76: {  	_ =	shalt  }
0x77: {  	_ =	shalt  }
0x78: {  	_ =	shalt  }
0x79: {  	_ =	shalt  }
0x7a: {  	_ =	shalt  }
0x7b: {  	_ =	shalt  }
0x7c: {  	_ =	shalt  }
0x7d: {  	_ =	shalt  }
0x7e: {  	_ =	shalt  }
0x7f: {  	_ =	shalt  }
0x80: {  	_ =	shalt  }
0x81: {  	_ =	shalt  }
0x82: {  	_ =	shalt  }
0x83: {  	_ =	shalt  }
0x84: {  	_ =	shalt  }
0x85: {  	_ =	shalt  }
0x86: {  	_ =	shalt  }
0x87: {  	_ =	shalt  }
.Lfunc_end0:
.L_simem_size_0:
called_computation_lowered:
.L_overlay_start_0:
0x88: {  	s2 =	sld [smem:$0x3FD9]  }
0x89: {  	s3 =	sld [smem:$0x3FFE];
	_ =	sdelay $0x1  }
0x8a: {  	s1 =	srdreg.scid  }
0x8b: {  	s0 =	sand.u32 $0x1, s1  }
0x8c: {  	s15 =	sshll.u32 s0, $0xA;
	s2 =	sadd.s32 s3, s2  }
0x8d: {  	s2 =	sadd.s32 s2, s15  }
0x8e: {  	[smem:$0x3FC5] =	sst s2  }
0x8f: {  	_ = 	snop  }
0x90: {  	s2 =	sld [smem:$0x3FD0];
	_ =	sdelay $0x2  }
0x91: {  	s4 =	simm.s32 $0xA;
	s5 =	simm.s32 $0x10;
	s16 =	sld [smem:$0x3FC7]  }
0x92: {  	[smem:s5], [sflag:s4] =	dma.local [hbm:s2], $0x1  }
0x93: {  	_ =	swait.eq [sflag:s4], $0x1  }
0x94: {  	[sflag:s4] =	ssyncset.done $0x0  }
0x95: {  	s17 =	sld [smem:$0x10];
	[sflag:s4] =	ssyncadd.s32 $0xFFFFFFFF  }
0x96: {  	s18 =	sld [smem:$0x11];
	(tm) =	ssettm $0x1  }
0x97: {  	s19 =	sld [smem:$0x3FFB];
	_ =	sdelay $0x3  }
0x98: {  	_ =	strace s19  }
0x99: {  	s5 =	sld [smem:$0x3FFC];
	_ =	sdelay $0x3  }
0x9a: {  	_ =	strace s5  }
0x9b: {  	s5 =	sld [smem:$0x3FFD];
	_ =	sdelay $0x3  }
0x9c: {  	_ =	strace s5  }
0x9d: {  	_ =	strace $0x8FFFFFFF  }
0x9e: {  	s20 =	sld [smem:$0x3FDB];
	_ =	sdelay $0x1  }
0x9f: {  	s6 =	simm.s32 $_scs_section_size  }
0xa0: {  	s7 =	simm.s32 $_size__tile_overlayer_lowered;
	s8 =	simm.s32 $_tile_overlayer_lowered  }
0xa1: {  	s23 =	simm.s32 $0x1BFF;
	s22 =	sshll.u32 s8, $0x1;
	s5 =	sadd.s32 s6, s20  }
0xa2: {  	s9 =	simm.s32 $0x0;
	s21 =	sshll.u32 s7, $0x1;
	s7 =	sadd.s32 s22, s5  }
0xa3: {  	[timem:s9], [sflag:s23] =	dma.local [hbm:s7], s21  }
0xa4: {  	_ =	swait.ge [sflag:s23], s21  }
0xa5: {  	s6 =	ssub.s32 $0x0, s21;
	[sflag:s23] =	ssyncset.done $0x0  }
0xa6: {  	[sflag:s23] =	ssyncadd.s32 s6;
	_ =	sdelay $0x1  }
0xa7: {  	s24 =	simm.s32 $0x1B8B  }
0xa8: {  	_ =	swait.ge [sflag:s24], $0x1  }
0xa9: {  	[sflag:s24] =	ssyncset.done $0x0  }
0xaa: {  	s25 =	simm.s32 $0x1B8E;
	[sflag:s24] =	ssyncadd.s32 $0xFFFFFFFF  }
0xab: {  	s26 =	simm.s32 $execute0_lowered;
	[smem:$0x3FD2] =	sst s25  }
0xac: {  	s6 =	sshll.u32 s26, $0x1;
	_ =	strace $0x80000046;
	[dreg:$0x1] =	wrdreg $0xFFFFFFFF  }
0xad: {  	s28 =	simm.s32 $_size_execute0_lowered;
	s5 =	sadd.s32 s5, s6;
	[dreg:$0x0] =	wrdreg $0x0  }
0xae: {  	s6 =	sshll.u32 s28, $0x1;
	[dreg:$0x2] =	wrdreg s5  }
0xaf: {  	[dreg:$0x3] =	wrdreg s6  }
0xb0: {  	[dreg:$0x4] =	wrdreg $0xC0  }
0xb1: {  	_ =	task [dreg:s9], $0x5FFFF  }
0xb2: {  	[dreg:$0x1] =	wrdreg $0xFFFFFFFF  }
0xb3: {  	[dreg:$0x0] =	wrdreg $0x60  }
0xb4: {  	[dreg:$0x2] =	wrdreg s16  }
0xb5: {  	[dreg:$0x3] =	wrdreg s18  }
0xb6: {  	[dreg:$0x4] =	wrdreg s17  }
0xb7: {  	[dreg:$0x5] =	wrdreg $0x9  }
0xb8: {  	_ =	task.clear_ibuf [dreg:s9], $0x6FFFF;
	_ =	strace $0x90000046  }
0xb9: {  	s29 =	simm.s32 $0x9;
	_ =	strace $0x80000048  }
0xba: {  	_ =	swait.ge [sflag:s29], $0x1  }
0xbb: {  	[sflag:s29] =	ssyncadd.s32 $0xFFFFFFFF  }
0xbc: {  	_ =	strace $0x90000048  }
0xbd: {  	_ =	sfence  }
0xbe: {  	s30 =	sld [smem:$0x0];
	_ =	sdelay $0x2  }
0xbf: {  	s31 =	sshll.u32 s1, $0xD;
	s1 =	sshrl.u32 s1, $0x2  }
0xc0: {  	s3 =	sand.u32 $0x4000, s31;
	s1 =	sadd.s32 s1, s30  }
0xc1: {  	s0 =	sor.u32 s3, s0;
	s1 =	sshll.u32 s1, $0x11  }
0xc2: {  	s0 =	sor.u32 s1, s0  }
0xc3: {  	s0 =	sadd.s32 $0x8F2B, s0  }
0xc4: {  	[sflag:s0] =	ssyncadd.remote.s32 $0x1  }
0xc5: {  	_ =	sfence.sel $0xFFFF  }
0xc6: {  	[dreg:$0x0] =	wrdreg $0xFFFFFFFF;
	(pc) =	sbr.abs _section_cstart, $3  }
0xc7: {  	[dreg:$0x1] =	wrdreg $0xFFFFFFFF  }
0xc8: {  	_ =	task.clear_ibuf [dreg:s9], $0x2FFFF;
	_ =	strace $0x9FFFFFFF  }
0xc9: {  	(tm) =	ssettm $0x7FFFFFFF  }
tec
execute0_lowered:
.L_overlay_start_1:
0x0: {  	(tag) =	ssettag $0x1  }
0x1: {  	s1 =	rddreg [dreg:$0x0]  }
0x2: {  	s0 =	rddreg [dreg:$0x1]  }
0x3: {  	s2 =	rddreg [dreg:$0x2]  }
0x4: {  	s3 =	simm.s32 $0x0;
	s4 =	srdreg.scid;
	s8 =	stileid.u32  }
0x5: {  	s17 =	simm.s32 $0x1200;
	s18 =	simm.s32 $0x1A00;
	s19 =	simm.s32 $0x2200  }
0x6: {  	s20 =	simm.s32 $0x2A00;
	s21 =	simm.s32 $0x3200;
	s28 =	simm.s32 $0x5200  }
0x7: {  	s29 =	simm.s32 $0x5A00;
	s30 =	simm.s32 $0x6200;
	s31 =	simm.s32 $0x6A00  }
0x8: {  	s9 =	simm.s32 $0x9200;
	s10 =	simm.s32 $0x9A00;
	s11 =	simm.s32 $0xA200  }
0x9: {  	s13 =	simm.s32 $0xB200;
	s14 =	simm.s32 $0xBA00;
	s15 =	simm.s32 $0x200  }
0xa: {  	[smem:$0x7FF] =	sst s3;
	s5 =	sand.u32 $0x1, s4;
	s6 =	sshll.u32 s8, $0xF  }
0xb: {  	s8 =	sshll.u32 s8, $0x7;
	s4 =	sshll.u32 s5, $0x6;
	s7 =	sshll.u32 s5, $0xE  }
0xc: {  	_ =	strace $0x80000047;
	s24 =	ssub.s32 $0x2, s5;
	s0 =	sadd.s32 s0, s4  }
0xd: {  	s22 =	sor.u32 s7, s6;
	s5 =	sshrl.u32 s24, $0x1;
	s6 =	simm.s32 $0x3  }
0xe: {  	s7 =	simm.s32 $0x2;
	s0 =	sadd.s32 s8, s0;
	s4 =	sadd.s32 s2, s22  }
0xf: {  	s2 =	ssub.s32 s24, s5;
	s22 =	simm.s32 $0x3A00;
	[dreg:$0x4] =	wrdreg s0  }
0x10: {  	s8 =	simm.s32 $0x8A00;
	s23 =	sadd.s32 $0x1000, s4;
	[dreg:$0x8] =	wrdreg s4  }
0x11: {  	s24 =	simm.s32 $0xCA00;
	s25 =	sadd.s32 $0x2000, s4;
	[dreg:$0x5] =	wrdreg s23  }
0x12: {  	v2 =	vlaneseq.u32;
	s26 =	sadd.s32 $0x3000, s4;
	s5 =	smax.u32 s2, $0x1;
	[dreg:$0x6] =	wrdreg s25  }
0x13: {  	vm0 =	vmmov $0xffff;
	v1 =	vshrl.u32 v2, $0x3;
	s2 =	simm.s32 $0x7200;
	s4 =	simm.s32 $0x7A00;
	[dreg:$0x7] =	wrdreg s26  }
0x14: {  	v0 =	vand.u32 $0x7, v2;
	v2 =	vor.u32 $0x8, v2;
	v1 =	vmul.u32 $0x8, v1;
	s25 =	simm.s32 $0x4200;
	s26 =	simm.s32 $0x4A00;
	s23 =	simm.s32 $0x8200  }
.LBB2_1:
0x15: {  	s16 =	rddreg [dreg:$0x4]  }
0x16: {  	[tilespmem:s3], [sflag:$0x3] =	stream.linear.gather [hbm4b:s16+s3], $0x200, $0x38;
	[tilespmem:$0x10200] =	vst v63  }
0x17: {  	_ =	swait.ge [sflag:s6], $0x200  }
0x18: {  	[sflag:s6] =	ssyncset.done $0x0  }
0x19: {  	[sflag:s6] =	ssyncadd.s32 $0xFFFFFE00  }
0x1a: {  	v3 =	vld [tilespmem:$0x0];
	_ =	sdelay $0x4  }
0x1b: {  	v4 =	vshll.u32 v3, $0x1  }
0x1c: {  	v3 =	vand.u32 $0x7, v3;
	v4 =	vand.u32 $0xFFFFFFF0, v4  }
0x1d: {  	v3 =	vor.u32 v3, v4  }
0x1e: {  	v4 =	vperm.xlane v3, v0;
	_ =	sdelay $0x1  }
0x1f: {  	v3 =	vperm.xlane v3, v2;
	v4 =	vadd.s32 v1, v4;
	_ =	sdelay $0x1  }
0x20: {  	v3 =	vadd.s32 v1, v3;
	_ =	sdelay $0x1  }
0x21: {  	s0 =	simm.s32 $0x200  }
0x22: {  	[tilespmem:s0], [sflag:$0x1] =	stream.indirect_vreg.gather [hbm4b:s1+s3], $0x80, v4, vm0, $0xb8;
	[tilespmem:$0x10200] =	vst v63  }
0x23: {  	s16 =	simm.s32 $0xA00  }
0x24: {  	[tilespmem:s16], [sflag:$0x1] =	stream.indirect_vreg.gather [hbm4b:s1+s3], $0x80, v3, vm0, $0xb8;
	[tilespmem:$0x10200] =	vst v63  }
0x25: {  	v3 =	vld [tilespmem:$0x10];
	_ =	sdelay $0x4  }
0x26: {  	v33 =	vshll.u32 v3, $0x1  }
0x27: {  	v3 =	vand.u32 $0x7, v3;
	v4 =	vand.u32 $0xFFFFFFF0, v33  }
0x28: {  	v3 =	vor.u32 v3, v4  }
0x29: {  	v4 =	vperm.xlane v3, v0;
	_ =	sdelay $0x1  }
0x2a: {  	v3 =	vperm.xlane v3, v2;
	v4 =	vadd.s32 v1, v4;
	_ =	sdelay $0x1  }
0x2b: {  	v3 =	vadd.s32 v1, v3;
	_ =	sdelay $0x2  }
0x2c: {  	[tilespmem:s17], [sflag:$0x1] =	stream.indirect_vreg.gather [hbm4b:s1+s3], $0x80, v4, vm0, $0xb8;
	[tilespmem:$0x10200] =	vst v63  }
0x2d: {  	_ = 	snop  }
0x2e: {  	[tilespmem:s18], [sflag:$0x1] =	stream.indirect_vreg.gather [hbm4b:s1+s3], $0x80, v3, vm0, $0xb8;
	[tilespmem:$0x10200] =	vst v63  }
0x2f: {  	v3 =	vld [tilespmem:$0x20];
	_ =	sdelay $0x4  }
0x30: {  	v34 =	vshll.u32 v3, $0x1  }
0x31: {  	v3 =	vand.u32 $0x7, v3;
	v4 =	vand.u32 $0xFFFFFFF0, v34  }
0x32: {  	v3 =	vor.u32 v3, v4  }
0x33: {  	v4 =	vperm.xlane v3, v0;
	_ =	sdelay $0x1  }
0x34: {  	v3 =	vperm.xlane v3, v2;
	v4 =	vadd.s32 v1, v4;
	_ =	sdelay $0x1  }
0x35: {  	v3 =	vadd.s32 v1, v3;
	_ =	sdelay $0x2  }
0x36: {  	[tilespmem:s19], [sflag:$0x1] =	stream.indirect_vreg.gather [hbm4b:s1+s3], $0x80, v4, vm0, $0xb8;
	[tilespmem:$0x10200] =	vst v63  }
0x37: {  	_ = 	snop  }
0x38: {  	[tilespmem:s20], [sflag:$0x1] =	stream.indirect_vreg.gather [hbm4b:s1+s3], $0x80, v3, vm0, $0xb8;
	[tilespmem:$0x10200] =	vst v63  }
0x39: {  	v3 =	vld [tilespmem:$0x30];
	_ =	sdelay $0x4  }
0x3a: {  	v35 =	vshll.u32 v3, $0x1  }
0x3b: {  	v3 =	vand.u32 $0x7, v3;
	v4 =	vand.u32 $0xFFFFFFF0, v35  }
0x3c: {  	v3 =	vor.u32 v3, v4  }
0x3d: {  	v4 =	vperm.xlane v3, v0;
	_ =	sdelay $0x1  }
0x3e: {  	v3 =	vperm.xlane v3, v2;
	v4 =	vadd.s32 v1, v4;
	_ =	sdelay $0x1  }
0x3f: {  	v3 =	vadd.s32 v1, v3;
	_ =	sdelay $0x2  }
0x40: {  	[tilespmem:s21], [sflag:$0x1] =	stream.indirect_vreg.gather [hbm4b:s1+s3], $0x80, v4, vm0, $0xb8;
	[tilespmem:$0x10200] =	vst v63  }
0x41: {  	_ = 	snop  }
0x42: {  	[tilespmem:s22], [sflag:$0x1] =	stream.indirect_vreg.gather [hbm4b:s1+s3], $0x80, v3, vm0, $0xb8;
	[tilespmem:$0x10200] =	vst v63  }
0x43: {  	v3 =	vld [tilespmem:$0x40];
	_ =	sdelay $0x4  }
0x44: {  	v36 =	vshll.u32 v3, $0x1  }
0x45: {  	v3 =	vand.u32 $0x7, v3;
	v4 =	vand.u32 $0xFFFFFFF0, v36  }
0x46: {  	v3 =	vor.u32 v3, v4  }
0x47: {  	v4 =	vperm.xlane v3, v0;
	_ =	sdelay $0x1  }
0x48: {  	v3 =	vperm.xlane v3, v2;
	v4 =	vadd.s32 v1, v4;
	_ =	sdelay $0x1  }
0x49: {  	v3 =	vadd.s32 v1, v3;
	_ =	sdelay $0x2  }
0x4a: {  	[tilespmem:s25], [sflag:$0x1] =	stream.indirect_vreg.gather [hbm4b:s1+s3], $0x80, v4, vm0, $0xb8;
	[tilespmem:$0x10200] =	vst v63  }
0x4b: {  	_ = 	snop  }
0x4c: {  	[tilespmem:s26], [sflag:$0x1] =	stream.indirect_vreg.gather [hbm4b:s1+s3], $0x80, v3, vm0, $0xb8;
	[tilespmem:$0x10200] =	vst v63  }
0x4d: {  	v3 =	vld [tilespmem:$0x50];
	_ =	sdelay $0x4  }
0x4e: {  	v37 =	vshll.u32 v3, $0x1  }
0x4f: {  	v3 =	vand.u32 $0x7, v3;
	v4 =	vand.u32 $0xFFFFFFF0, v37  }
0x50: {  	v3 =	vor.u32 v3, v4  }
0x51: {  	v4 =	vperm.xlane v3, v0;
	_ =	sdelay $0x1  }
0x52: {  	v3 =	vperm.xlane v3, v2;
	v4 =	vadd.s32 v1, v4;
	_ =	sdelay $0x1  }
0x53: {  	v3 =	vadd.s32 v1, v3;
	_ =	sdelay $0x2  }
0x54: {  	[tilespmem:s28], [sflag:$0x1] =	stream.indirect_vreg.gather [hbm4b:s1+s3], $0x80, v4, vm0, $0xb8;
	[tilespmem:$0x10200] =	vst v63  }
0x55: {  	_ = 	snop  }
0x56: {  	[tilespmem:s29], [sflag:$0x1] =	stream.indirect_vreg.gather [hbm4b:s1+s3], $0x80, v3, vm0, $0xb8;
	[tilespmem:$0x10200] =	vst v63  }
0x57: {  	v3 =	vld [tilespmem:$0x60];
	_ =	sdelay $0x4  }
0x58: {  	v38 =	vshll.u32 v3, $0x1  }
0x59: {  	v3 =	vand.u32 $0x7, v3;
	v4 =	vand.u32 $0xFFFFFFF0, v38  }
0x5a: {  	v3 =	vor.u32 v3, v4  }
0x5b: {  	v4 =	vperm.xlane v3, v0;
	_ =	sdelay $0x1  }
0x5c: {  	v3 =	vperm.xlane v3, v2;
	v4 =	vadd.s32 v1, v4;
	_ =	sdelay $0x1  }
0x5d: {  	v3 =	vadd.s32 v1, v3;
	_ =	sdelay $0x2  }
0x5e: {  	[tilespmem:s30], [sflag:$0x1] =	stream.indirect_vreg.gather [hbm4b:s1+s3], $0x80, v4, vm0, $0xb8;
	[tilespmem:$0x10200] =	vst v63  }
0x5f: {  	_ = 	snop  }
0x60: {  	[tilespmem:s31], [sflag:$0x1] =	stream.indirect_vreg.gather [hbm4b:s1+s3], $0x80, v3, vm0, $0xb8;
	[tilespmem:$0x10200] =	vst v63  }
0x61: {  	v3 =	vld [tilespmem:$0x70];
	_ =	sdelay $0x4  }
0x62: {  	v39 =	vshll.u32 v3, $0x1  }
0x63: {  	v3 =	vand.u32 $0x7, v3;
	v4 =	vand.u32 $0xFFFFFFF0, v39  }
0x64: {  	v3 =	vor.u32 v3, v4  }
0x65: {  	v4 =	vperm.xlane v3, v0;
	_ =	sdelay $0x1  }
0x66: {  	v3 =	vperm.xlane v3, v2;
	v4 =	vadd.s32 v1, v4;
	_ =	sdelay $0x1  }
0x67: {  	v3 =	vadd.s32 v1, v3;
	_ =	sdelay $0x2  }
0x68: {  	[tilespmem:s2], [sflag:$0x1] =	stream.indirect_vreg.gather [hbm4b:s1+s3], $0x80, v4, vm0, $0xb8;
	[tilespmem:$0x10200] =	vst v63  }
0x69: {  	s0 =	simm.s32 $0x1  }
0x6a: {  	[tilespmem:s4], [sflag:$0x1] =	stream.indirect_vreg.gather [hbm4b:s1+s3], $0x80, v3, vm0, $0xb8;
	[tilespmem:$0x10200] =	vst v63  }
0x6b: {  	_ =	swait.ge [sflag:s0], $0x8000  }
0x6c: {  	[sflag:s0] =	ssyncset.done $0x0  }
0x6d: {  	[sflag:s0] =	ssyncadd.s32 $0xFFFF8000  }
0x6e: {  	v3 =	vld [tilespmem:$0x80];
	_ =	sdelay $0x4  }
0x6f: {  	v40 =	vshll.u32 v3, $0x1  }
0x70: {  	v3 =	vand.u32 $0x7, v3;
	v4 =	vand.u32 $0xFFFFFFF0, v40  }
0x71: {  	v3 =	vor.u32 v3, v4  }
0x72: {  	v4 =	vperm.xlane v3, v0;
	_ =	sdelay $0x1  }
0x73: {  	v3 =	vperm.xlane v3, v2;
	v4 =	vadd.s32 v1, v4;
	_ =	sdelay $0x1  }
0x74: {  	v3 =	vadd.s32 v1, v3;
	_ =	sdelay $0x2  }
0x75: {  	[tilespmem:s23], [sflag:$0x2] =	stream.indirect_vreg.gather [hbm4b:s1+s3], $0x80, v4, vm0, $0xb8;
	[tilespmem:$0x10200] =	vst v63  }
0x76: {  	_ = 	snop  }
0x77: {  	[tilespmem:s8], [sflag:$0x2] =	stream.indirect_vreg.gather [hbm4b:s1+s3], $0x80, v3, vm0, $0xb8;
	[tilespmem:$0x10200] =	vst v63  }
0x78: {  	v3 =	vld [tilespmem:$0x90];
	_ =	sdelay $0x4  }
0x79: {  	v41 =	vshll.u32 v3, $0x1  }
0x7a: {  	v3 =	vand.u32 $0x7, v3;
	v4 =	vand.u32 $0xFFFFFFF0, v41  }
0x7b: {  	v3 =	vor.u32 v3, v4  }
0x7c: {  	v4 =	vperm.xlane v3, v0;
	_ =	sdelay $0x1  }
0x7d: {  	v3 =	vperm.xlane v3, v2;
	v4 =	vadd.s32 v1, v4;
	_ =	sdelay $0x1  }
0x7e: {  	v3 =	vadd.s32 v1, v3;
	_ =	sdelay $0x2  }
0x7f: {  	[tilespmem:s9], [sflag:$0x2] =	stream.indirect_vreg.gather [hbm4b:s1+s3], $0x80, v4, vm0, $0xb8;
	[tilespmem:$0x10200] =	vst v63  }
0x80: {  	_ = 	snop  }
0x81: {  	[tilespmem:s10], [sflag:$0x2] =	stream.indirect_vreg.gather [hbm4b:s1+s3], $0x80, v3, vm0, $0xb8;
	[tilespmem:$0x10200] =	vst v63  }
0x82: {  	v3 =	vld [tilespmem:$0xA0];
	_ =	sdelay $0x4  }
0x83: {  	v42 =	vshll.u32 v3, $0x1  }
0x84: {  	v3 =	vand.u32 $0x7, v3;
	v4 =	vand.u32 $0xFFFFFFF0, v42  }
0x85: {  	v3 =	vor.u32 v3, v4  }
0x86: {  	v4 =	vperm.xlane v3, v0;
	_ =	sdelay $0x1  }
0x87: {  	v3 =	vperm.xlane v3, v2;
	v4 =	vadd.s32 v1, v4;
	_ =	sdelay $0x1  }
0x88: {  	v3 =	vadd.s32 v1, v3;
	_ =	sdelay $0x2  }
0x89: {  	[tilespmem:s11], [sflag:$0x2] =	stream.indirect_vreg.gather [hbm4b:s1+s3], $0x80, v4, vm0, $0xb8;
	[tilespmem:$0x10200] =	vst v63  }
0x8a: {  	s12 =	simm.s32 $0xAA00  }
0x8b: {  	[tilespmem:s12], [sflag:$0x2] =	stream.indirect_vreg.gather [hbm4b:s1+s3], $0x80, v3, vm0, $0xb8;
	[tilespmem:$0x10200] =	vst v63  }
0x8c: {  	v3 =	vld [tilespmem:$0xB0];
	_ =	sdelay $0x4  }
0x8d: {  	v43 =	vshll.u32 v3, $0x1  }
0x8e: {  	v3 =	vand.u32 $0x7, v3;
	v4 =	vand.u32 $0xFFFFFFF0, v43  }
0x8f: {  	v3 =	vor.u32 v3, v4  }
0x90: {  	v4 =	vperm.xlane v3, v0;
	_ =	sdelay $0x1  }
0x91: {  	v3 =	vperm.xlane v3, v2;
	v4 =	vadd.s32 v1, v4;
	_ =	sdelay $0x1  }
0x92: {  	v3 =	vadd.s32 v1, v3;
	_ =	sdelay $0x2  }
0x93: {  	[tilespmem:s13], [sflag:$0x2] =	stream.indirect_vreg.gather [hbm4b:s1+s3], $0x80, v4, vm0, $0xb8;
	[tilespmem:$0x10200] =	vst v63  }
0x94: {  	_ = 	snop  }
0x95: {  	[tilespmem:s14], [sflag:$0x2] =	stream.indirect_vreg.gather [hbm4b:s1+s3], $0x80, v3, vm0, $0xb8;
	[tilespmem:$0x10200] =	vst v63  }
0x96: {  	v3 =	vld [tilespmem:$0xC0];
	_ =	sdelay $0x4  }
0x97: {  	v44 =	vshll.u32 v3, $0x1  }
0x98: {  	v3 =	vand.u32 $0x7, v3;
	v4 =	vand.u32 $0xFFFFFFF0, v44  }
0x99: {  	v3 =	vor.u32 v3, v4  }
0x9a: {  	v4 =	vperm.xlane v3, v0;
	_ =	sdelay $0x1  }
0x9b: {  	v3 =	vperm.xlane v3, v2;
	v4 =	vadd.s32 v1, v4;
	_ =	sdelay $0x1  }
0x9c: {  	v3 =	vadd.s32 v1, v3;
	_ =	sdelay $0x1  }
0x9d: {  	s12 =	simm.s32 $0xC200  }
0x9e: {  	[tilespmem:s12], [sflag:$0x2] =	stream.indirect_vreg.gather [hbm4b:s1+s3], $0x80, v4, vm0, $0xb8;
	[tilespmem:$0x10200] =	vst v63  }
0x9f: {  	_ = 	snop  }
0xa0: {  	[tilespmem:s24], [sflag:$0x2] =	stream.indirect_vreg.gather [hbm4b:s1+s3], $0x80, v3, vm0, $0xb8;
	[tilespmem:$0x10200] =	vst v63  }
0xa1: {  	v3 =	vld [tilespmem:$0xD0];
	_ =	sdelay $0x4  }
0xa2: {  	v45 =	vshll.u32 v3, $0x1  }
0xa3: {  	v3 =	vand.u32 $0x7, v3;
	v4 =	vand.u32 $0xFFFFFFF0, v45  }
0xa4: {  	v3 =	vor.u32 v3, v4  }
0xa5: {  	v4 =	vperm.xlane v3, v0;
	_ =	sdelay $0x1  }
0xa6: {  	v3 =	vperm.xlane v3, v2;
	v4 =	vadd.s32 v1, v4;
	_ =	sdelay $0x1  }
0xa7: {  	v3 =	vadd.s32 v1, v3;
	_ =	sdelay $0x1  }
0xa8: {  	s12 =	simm.s32 $0xD200  }
0xa9: {  	[tilespmem:s12], [sflag:$0x2] =	stream.indirect_vreg.gather [hbm4b:s1+s3], $0x80, v4, vm0, $0xb8;
	[tilespmem:$0x10200] =	vst v63  }
0xaa: {  	s12 =	simm.s32 $0xDA00  }
0xab: {  	[tilespmem:s12], [sflag:$0x2] =	stream.indirect_vreg.gather [hbm4b:s1+s3], $0x80, v3, vm0, $0xb8;
	[tilespmem:$0x10200] =	vst v63  }
0xac: {  	v3 =	vld [tilespmem:$0xE0];
	_ =	sdelay $0x4  }
0xad: {  	v46 =	vshll.u32 v3, $0x1  }
0xae: {  	v3 =	vand.u32 $0x7, v3;
	v4 =	vand.u32 $0xFFFFFFF0, v46  }
0xaf: {  	v3 =	vor.u32 v3, v4  }
0xb0: {  	v4 =	vperm.xlane v3, v0;
	_ =	sdelay $0x1  }
0xb1: {  	v3 =	vperm.xlane v3, v2;
	v4 =	vadd.s32 v1, v4;
	_ =	sdelay $0x1  }
0xb2: {  	v3 =	vadd.s32 v1, v3;
	_ =	sdelay $0x1  }
0xb3: {  	s12 =	simm.s32 $0xE200  }
0xb4: {  	[tilespmem:s12], [sflag:$0x2] =	stream.indirect_vreg.gather [hbm4b:s1+s3], $0x80, v4, vm0, $0xb8;
	[tilespmem:$0x10200] =	vst v63  }
0xb5: {  	s12 =	simm.s32 $0xEA00  }
0xb6: {  	[tilespmem:s12], [sflag:$0x2] =	stream.indirect_vreg.gather [hbm4b:s1+s3], $0x80, v3, vm0, $0xb8;
	[tilespmem:$0x10200] =	vst v63  }
0xb7: {  	v3 =	vld [tilespmem:$0xF0];
	_ =	sdelay $0x4  }
0xb8: {  	v47 =	vshll.u32 v3, $0x1  }
0xb9: {  	v3 =	vand.u32 $0x7, v3;
	v4 =	vand.u32 $0xFFFFFFF0, v47  }
0xba: {  	v3 =	vor.u32 v3, v4  }
0xbb: {  	v4 =	vperm.xlane v3, v0;
	_ =	sdelay $0x1  }
0xbc: {  	v3 =	vperm.xlane v3, v2;
	v4 =	vadd.s32 v1, v4;
	_ =	sdelay $0x1  }
0xbd: {  	v3 =	vadd.s32 v1, v3;
	_ =	sdelay $0x1  }
0xbe: {  	s12 =	simm.s32 $0xF200  }
0xbf: {  	[tilespmem:s12], [sflag:$0x2] =	stream.indirect_vreg.gather [hbm4b:s1+s3], $0x80, v4, vm0, $0xb8;
	[tilespmem:$0x10200] =	vst v63  }
0xc0: {  	s12 =	simm.s32 $0xFA00  }
0xc1: {  	[tilespmem:s12], [sflag:$0x2] =	stream.indirect_vreg.gather [hbm4b:s1+s3], $0x80, v3, vm0, $0xb8;
	[tilespmem:$0x10200] =	vst v63  }
0xc2: {  	s12 =	rddreg [dreg:$0x8]  }
0xc3: {  	[hbm4b:s12+s3] =	stream.linear.scatter [tilespmem:s15], [sflag:$0x3], $0x8000, $0x38;
	[tilespmem:$0x10200] =	vst v63  }
0xc4: {  	_ =	swait.ge [sflag:s6], $0x8000  }
0xc5: {  	[sflag:s6] =	ssyncset.done $0x0  }
0xc6: {  	[sflag:s6] =	ssyncadd.s32 $0xFFFF8000  }
0xc7: {  	_ =	swait.ge [sflag:s7], $0x8000  }
0xc8: {  	[sflag:s7] =	ssyncset.done $0x0  }
0xc9: {  	[sflag:s7] =	ssyncadd.s32 $0xFFFF8000  }
0xca: {  	v3 =	vld [tilespmem:$0x100];
	_ =	sdelay $0x4  }
0xcb: {  	v48 =	vshll.u32 v3, $0x1  }
0xcc: {  	v3 =	vand.u32 $0x7, v3;
	v4 =	vand.u32 $0xFFFFFFF0, v48  }
0xcd: {  	v3 =	vor.u32 v3, v4  }
0xce: {  	v4 =	vperm.xlane v3, v0;
	_ =	sdelay $0x1  }
0xcf: {  	v3 =	vperm.xlane v3, v2;
	v4 =	vadd.s32 v1, v4;
	_ =	sdelay $0x1  }
0xd0: {  	v3 =	vadd.s32 v1, v3;
	_ =	sdelay $0x2  }
0xd1: {  	[tilespmem:s15], [sflag:$0x1] =	stream.indirect_vreg.gather [hbm4b:s1+s3], $0x80, v4, vm0, $0xb8;
	[tilespmem:$0x10200] =	vst v63  }
0xd2: {  	_ = 	snop  }
0xd3: {  	[tilespmem:s16], [sflag:$0x1] =	stream.indirect_vreg.gather [hbm4b:s1+s3], $0x80, v3, vm0, $0xb8;
	[tilespmem:$0x10200] =	vst v63  }
0xd4: {  	v3 =	vld [tilespmem:$0x110];
	_ =	sdelay $0x4  }
0xd5: {  	v49 =	vshll.u32 v3, $0x1  }
0xd6: {  	v3 =	vand.u32 $0x7, v3;
	v4 =	vand.u32 $0xFFFFFFF0, v49  }
0xd7: {  	v3 =	vor.u32 v3, v4  }
0xd8: {  	v4 =	vperm.xlane v3, v0;
	_ =	sdelay $0x1  }
0xd9: {  	v3 =	vperm.xlane v3, v2;
	v4 =	vadd.s32 v1, v4;
	_ =	sdelay $0x1  }
0xda: {  	v3 =	vadd.s32 v1, v3;
	_ =	sdelay $0x2  }
0xdb: {  	[tilespmem:s17], [sflag:$0x1] =	stream.indirect_vreg.gather [hbm4b:s1+s3], $0x80, v4, vm0, $0xb8;
	[tilespmem:$0x10200] =	vst v63  }
0xdc: {  	_ = 	snop  }
0xdd: {  	[tilespmem:s18], [sflag:$0x1] =	stream.indirect_vreg.gather [hbm4b:s1+s3], $0x80, v3, vm0, $0xb8;
	[tilespmem:$0x10200] =	vst v63  }
0xde: {  	v3 =	vld [tilespmem:$0x120];
	_ =	sdelay $0x4  }
0xdf: {  	v50 =	vshll.u32 v3, $0x1  }
0xe0: {  	v3 =	vand.u32 $0x7, v3;
	v4 =	vand.u32 $0xFFFFFFF0, v50  }
0xe1: {  	v3 =	vor.u32 v3, v4  }
0xe2: {  	v4 =	vperm.xlane v3, v0;
	_ =	sdelay $0x1  }
0xe3: {  	v3 =	vperm.xlane v3, v2;
	v4 =	vadd.s32 v1, v4;
	_ =	sdelay $0x1  }
0xe4: {  	v3 =	vadd.s32 v1, v3;
	_ =	sdelay $0x2  }
0xe5: {  	[tilespmem:s19], [sflag:$0x1] =	stream.indirect_vreg.gather [hbm4b:s1+s3], $0x80, v4, vm0, $0xb8;
	[tilespmem:$0x10200] =	vst v63  }
0xe6: {  	_ = 	snop  }
0xe7: {  	[tilespmem:s20], [sflag:$0x1] =	stream.indirect_vreg.gather [hbm4b:s1+s3], $0x80, v3, vm0, $0xb8;
	[tilespmem:$0x10200] =	vst v63  }
0xe8: {  	v3 =	vld [tilespmem:$0x130];
	_ =	sdelay $0x4  }
0xe9: {  	v51 =	vshll.u32 v3, $0x1  }
0xea: {  	v3 =	vand.u32 $0x7, v3;
	v4 =	vand.u32 $0xFFFFFFF0, v51  }
0xeb: {  	v3 =	vor.u32 v3, v4  }
0xec: {  	v4 =	vperm.xlane v3, v0;
	_ =	sdelay $0x1  }
0xed: {  	v3 =	vperm.xlane v3, v2;
	v4 =	vadd.s32 v1, v4;
	_ =	sdelay $0x1  }
0xee: {  	v3 =	vadd.s32 v1, v3;
	_ =	sdelay $0x2  }
0xef: {  	[tilespmem:s21], [sflag:$0x1] =	stream.indirect_vreg.gather [hbm4b:s1+s3], $0x80, v4, vm0, $0xb8;
	[tilespmem:$0x10200] =	vst v63  }
0xf0: {  	_ = 	snop  }
0xf1: {  	[tilespmem:s22], [sflag:$0x1] =	stream.indirect_vreg.gather [hbm4b:s1+s3], $0x80, v3, vm0, $0xb8;
	[tilespmem:$0x10200] =	vst v63  }
0xf2: {  	v3 =	vld [tilespmem:$0x140];
	_ =	sdelay $0x4  }
0xf3: {  	v52 =	vshll.u32 v3, $0x1  }
0xf4: {  	v3 =	vand.u32 $0x7, v3;
	v4 =	vand.u32 $0xFFFFFFF0, v52  }
0xf5: {  	v3 =	vor.u32 v3, v4  }
0xf6: {  	v4 =	vperm.xlane v3, v0;
	_ =	sdelay $0x1  }
0xf7: {  	v3 =	vperm.xlane v3, v2;
	v4 =	vadd.s32 v1, v4;
	_ =	sdelay $0x1  }
0xf8: {  	v3 =	vadd.s32 v1, v3;
	_ =	sdelay $0x2  }
0xf9: {  	[tilespmem:s25], [sflag:$0x1] =	stream.indirect_vreg.gather [hbm4b:s1+s3], $0x80, v4, vm0, $0xb8;
	[tilespmem:$0x10200] =	vst v63  }
0xfa: {  	_ = 	snop  }
0xfb: {  	[tilespmem:s26], [sflag:$0x1] =	stream.indirect_vreg.gather [hbm4b:s1+s3], $0x80, v3, vm0, $0xb8;
	[tilespmem:$0x10200] =	vst v63  }
0xfc: {  	v3 =	vld [tilespmem:$0x150];
	_ =	sdelay $0x4  }
0xfd: {  	v53 =	vshll.u32 v3, $0x1  }
0xfe: {  	v3 =	vand.u32 $0x7, v3;
	v4 =	vand.u32 $0xFFFFFFF0, v53  }
0xff: {  	v3 =	vor.u32 v3, v4  }
0x100: {  	v4 =	vperm.xlane v3, v0;
	_ =	sdelay $0x1  }
0x101: {  	v3 =	vperm.xlane v3, v2;
	v4 =	vadd.s32 v1, v4;
	_ =	sdelay $0x1  }
0x102: {  	v3 =	vadd.s32 v1, v3;
	_ =	sdelay $0x2  }
0x103: {  	[tilespmem:s28], [sflag:$0x1] =	stream.indirect_vreg.gather [hbm4b:s1+s3], $0x80, v4, vm0, $0xb8;
	[tilespmem:$0x10200] =	vst v63  }
0x104: {  	_ = 	snop  }
0x105: {  	[tilespmem:s29], [sflag:$0x1] =	stream.indirect_vreg.gather [hbm4b:s1+s3], $0x80, v3, vm0, $0xb8;
	[tilespmem:$0x10200] =	vst v63  }
0x106: {  	v3 =	vld [tilespmem:$0x160];
	_ =	sdelay $0x4  }
0x107: {  	v54 =	vshll.u32 v3, $0x1  }
0x108: {  	v3 =	vand.u32 $0x7, v3;
	v4 =	vand.u32 $0xFFFFFFF0, v54  }
0x109: {  	v3 =	vor.u32 v3, v4  }
0x10a: {  	v4 =	vperm.xlane v3, v0;
	_ =	sdelay $0x1  }
0x10b: {  	v3 =	vperm.xlane v3, v2;
	v4 =	vadd.s32 v1, v4;
	_ =	sdelay $0x1  }
0x10c: {  	v3 =	vadd.s32 v1, v3;
	_ =	sdelay $0x2  }
0x10d: {  	[tilespmem:s30], [sflag:$0x1] =	stream.indirect_vreg.gather [hbm4b:s1+s3], $0x80, v4, vm0, $0xb8;
	[tilespmem:$0x10200] =	vst v63  }
0x10e: {  	_ = 	snop  }
0x10f: {  	[tilespmem:s31], [sflag:$0x1] =	stream.indirect_vreg.gather [hbm4b:s1+s3], $0x80, v3, vm0, $0xb8;
	[tilespmem:$0x10200] =	vst v63  }
0x110: {  	v3 =	vld [tilespmem:$0x170];
	_ =	sdelay $0x4  }
0x111: {  	v55 =	vshll.u32 v3, $0x1  }
0x112: {  	v3 =	vand.u32 $0x7, v3;
	v4 =	vand.u32 $0xFFFFFFF0, v55  }
0x113: {  	v3 =	vor.u32 v3, v4  }
0x114: {  	v4 =	vperm.xlane v3, v0;
	_ =	sdelay $0x1  }
0x115: {  	v3 =	vperm.xlane v3, v2;
	v4 =	vadd.s32 v1, v4;
	_ =	sdelay $0x1  }
0x116: {  	v3 =	vadd.s32 v1, v3;
	_ =	sdelay $0x2  }
0x117: {  	[tilespmem:s2], [sflag:$0x1] =	stream.indirect_vreg.gather [hbm4b:s1+s3], $0x80, v4, vm0, $0xb8;
	[tilespmem:$0x10200] =	vst v63  }
0x118: {  	_ = 	snop  }
0x119: {  	[tilespmem:s4], [sflag:$0x1] =	stream.indirect_vreg.gather [hbm4b:s1+s3], $0x80, v3, vm0, $0xb8;
	[tilespmem:$0x10200] =	vst v63  }
0x11a: {  	s16 =	rddreg [dreg:$0x5]  }
0x11b: {  	[hbm4b:s16+s3] =	stream.linear.scatter [tilespmem:s23], [sflag:$0x3], $0x8000, $0x38;
	[tilespmem:$0x10200] =	vst v63  }
0x11c: {  	_ =	swait.ge [sflag:s6], $0x8000  }
0x11d: {  	[sflag:s6] =	ssyncset.done $0x0  }
0x11e: {  	[sflag:s6] =	ssyncadd.s32 $0xFFFF8000  }
0x11f: {  	_ =	swait.ge [sflag:s0], $0x8000  }
0x120: {  	[sflag:s0] =	ssyncset.done $0x0  }
0x121: {  	[sflag:s0] =	ssyncadd.s32 $0xFFFF8000  }
0x122: {  	v3 =	vld [tilespmem:$0x180];
	_ =	sdelay $0x4  }
0x123: {  	v56 =	vshll.u32 v3, $0x1  }
0x124: {  	v3 =	vand.u32 $0x7, v3;
	v4 =	vand.u32 $0xFFFFFFF0, v56  }
0x125: {  	v3 =	vor.u32 v3, v4  }
0x126: {  	v4 =	vperm.xlane v3, v0;
	_ =	sdelay $0x1  }
0x127: {  	v3 =	vperm.xlane v3, v2;
	v4 =	vadd.s32 v1, v4;
	_ =	sdelay $0x1  }
0x128: {  	v3 =	vadd.s32 v1, v3;
	_ =	sdelay $0x2  }
0x129: {  	[tilespmem:s23], [sflag:$0x2] =	stream.indirect_vreg.gather [hbm4b:s1+s3], $0x80, v4, vm0, $0xb8;
	[tilespmem:$0x10200] =	vst v63  }
0x12a: {  	_ = 	snop  }
0x12b: {  	[tilespmem:s8], [sflag:$0x2] =	stream.indirect_vreg.gather [hbm4b:s1+s3], $0x80, v3, vm0, $0xb8;
	[tilespmem:$0x10200] =	vst v63  }
0x12c: {  	v3 =	vld [tilespmem:$0x190];
	_ =	sdelay $0x4  }
0x12d: {  	v57 =	vshll.u32 v3, $0x1  }
0x12e: {  	v3 =	vand.u32 $0x7, v3;
	v4 =	vand.u32 $0xFFFFFFF0, v57  }
0x12f: {  	v3 =	vor.u32 v3, v4  }
0x130: {  	v4 =	vperm.xlane v3, v0;
	_ =	sdelay $0x1  }
0x131: {  	v3 =	vperm.xlane v3, v2;
	v4 =	vadd.s32 v1, v4;
	_ =	sdelay $0x1  }
0x132: {  	v3 =	vadd.s32 v1, v3;
	_ =	sdelay $0x2  }
0x133: {  	[tilespmem:s9], [sflag:$0x2] =	stream.indirect_vreg.gather [hbm4b:s1+s3], $0x80, v4, vm0, $0xb8;
	[tilespmem:$0x10200] =	vst v63  }
0x134: {  	_ = 	snop  }
0x135: {  	[tilespmem:s10], [sflag:$0x2] =	stream.indirect_vreg.gather [hbm4b:s1+s3], $0x80, v3, vm0, $0xb8;
	[tilespmem:$0x10200] =	vst v63  }
0x136: {  	v3 =	vld [tilespmem:$0x1A0];
	_ =	sdelay $0x4  }
0x137: {  	v58 =	vshll.u32 v3, $0x1  }
0x138: {  	v3 =	vand.u32 $0x7, v3;
	v4 =	vand.u32 $0xFFFFFFF0, v58  }
0x139: {  	v3 =	vor.u32 v3, v4  }
0x13a: {  	v4 =	vperm.xlane v3, v0;
	_ =	sdelay $0x1  }
0x13b: {  	v3 =	vperm.xlane v3, v2;
	v4 =	vadd.s32 v1, v4;
	_ =	sdelay $0x1  }
0x13c: {  	v3 =	vadd.s32 v1, v3;
	_ =	sdelay $0x2  }
0x13d: {  	[tilespmem:s11], [sflag:$0x2] =	stream.indirect_vreg.gather [hbm4b:s1+s3], $0x80, v4, vm0, $0xb8;
	[tilespmem:$0x10200] =	vst v63  }
0x13e: {  	s16 =	simm.s32 $0xAA00  }
0x13f: {  	[tilespmem:s16], [sflag:$0x2] =	stream.indirect_vreg.gather [hbm4b:s1+s3], $0x80, v3, vm0, $0xb8;
	[tilespmem:$0x10200] =	vst v63  }
0x140: {  	v3 =	vld [tilespmem:$0x1B0];
	_ =	sdelay $0x4  }
0x141: {  	v59 =	vshll.u32 v3, $0x1  }
0x142: {  	v3 =	vand.u32 $0x7, v3;
	v4 =	vand.u32 $0xFFFFFFF0, v59  }
0x143: {  	v3 =	vor.u32 v3, v4  }
0x144: {  	v4 =	vperm.xlane v3, v0;
	_ =	sdelay $0x1  }
0x145: {  	v3 =	vperm.xlane v3, v2;
	v4 =	vadd.s32 v1, v4;
	_ =	sdelay $0x1  }
0x146: {  	v3 =	vadd.s32 v1, v3;
	_ =	sdelay $0x2  }
0x147: {  	[tilespmem:s13], [sflag:$0x2] =	stream.indirect_vreg.gather [hbm4b:s1+s3], $0x80, v4, vm0, $0xb8;
	[tilespmem:$0x10200] =	vst v63  }
0x148: {  	_ = 	snop  }
0x149: {  	[tilespmem:s14], [sflag:$0x2] =	stream.indirect_vreg.gather [hbm4b:s1+s3], $0x80, v3, vm0, $0xb8;
	[tilespmem:$0x10200] =	vst v63  }
0x14a: {  	v3 =	vld [tilespmem:$0x1C0];
	_ =	sdelay $0x4  }
0x14b: {  	v60 =	vshll.u32 v3, $0x1  }
0x14c: {  	v3 =	vand.u32 $0x7, v3;
	v4 =	vand.u32 $0xFFFFFFF0, v60  }
0x14d: {  	v3 =	vor.u32 v3, v4  }
0x14e: {  	v4 =	vperm.xlane v3, v0;
	_ =	sdelay $0x1  }
0x14f: {  	v3 =	vperm.xlane v3, v2;
	v4 =	vadd.s32 v1, v4;
	_ =	sdelay $0x1  }
0x150: {  	v3 =	vadd.s32 v1, v3;
	_ =	sdelay $0x1  }
0x151: {  	s16 =	simm.s32 $0xC200  }
0x152: {  	[tilespmem:s16], [sflag:$0x2] =	stream.indirect_vreg.gather [hbm4b:s1+s3], $0x80, v4, vm0, $0xb8;
	[tilespmem:$0x10200] =	vst v63  }
0x153: {  	_ = 	snop  }
0x154: {  	[tilespmem:s24], [sflag:$0x2] =	stream.indirect_vreg.gather [hbm4b:s1+s3], $0x80, v3, vm0, $0xb8;
	[tilespmem:$0x10200] =	vst v63  }
0x155: {  	v3 =	vld [tilespmem:$0x1D0];
	_ =	sdelay $0x4  }
0x156: {  	v61 =	vshll.u32 v3, $0x1  }
0x157: {  	v3 =	vand.u32 $0x7, v3;
	v4 =	vand.u32 $0xFFFFFFF0, v61  }
0x158: {  	v3 =	vor.u32 v3, v4  }
0x159: {  	v4 =	vperm.xlane v3, v0;
	_ =	sdelay $0x1  }
0x15a: {  	v3 =	vperm.xlane v3, v2;
	v4 =	vadd.s32 v1, v4;
	_ =	sdelay $0x1  }
0x15b: {  	v3 =	vadd.s32 v1, v3;
	_ =	sdelay $0x1  }
0x15c: {  	s16 =	simm.s32 $0xD200  }
0x15d: {  	[tilespmem:s16], [sflag:$0x2] =	stream.indirect_vreg.gather [hbm4b:s1+s3], $0x80, v4, vm0, $0xb8;
	[tilespmem:$0x10200] =	vst v63  }
0x15e: {  	s16 =	simm.s32 $0xDA00  }
0x15f: {  	[tilespmem:s16], [sflag:$0x2] =	stream.indirect_vreg.gather [hbm4b:s1+s3], $0x80, v3, vm0, $0xb8;
	[tilespmem:$0x10200] =	vst v63  }
0x160: {  	v3 =	vld [tilespmem:$0x1E0];
	_ =	sdelay $0x4  }
0x161: {  	v62 =	vshll.u32 v3, $0x1  }
0x162: {  	v3 =	vand.u32 $0x7, v3;
	v4 =	vand.u32 $0xFFFFFFF0, v62  }
0x163: {  	v3 =	vor.u32 v3, v4  }
0x164: {  	v4 =	vperm.xlane v3, v0;
	_ =	sdelay $0x1  }
0x165: {  	v3 =	vperm.xlane v3, v2;
	v4 =	vadd.s32 v1, v4;
	_ =	sdelay $0x1  }
0x166: {  	v3 =	vadd.s32 v1, v3;
	_ =	sdelay $0x1  }
0x167: {  	s16 =	simm.s32 $0xE200  }
0x168: {  	[tilespmem:s16], [sflag:$0x2] =	stream.indirect_vreg.gather [hbm4b:s1+s3], $0x80, v4, vm0, $0xb8;
	[tilespmem:$0x10200] =	vst v63  }
0x169: {  	s16 =	simm.s32 $0xEA00  }
0x16a: {  	[tilespmem:s16], [sflag:$0x2] =	stream.indirect_vreg.gather [hbm4b:s1+s3], $0x80, v3, vm0, $0xb8;
	[tilespmem:$0x10200] =	vst v63  }
0x16b: {  	v3 =	vld [tilespmem:$0x1F0];
	_ =	sdelay $0x4  }
0x16c: {  	v63 =	vshll.u32 v3, $0x1  }
0x16d: {  	v3 =	vand.u32 $0x7, v3;
	v4 =	vand.u32 $0xFFFFFFF0, v63  }
0x16e: {  	v3 =	vor.u32 v3, v4  }
0x16f: {  	v4 =	vperm.xlane v3, v0;
	_ =	sdelay $0x1  }
0x170: {  	v3 =	vperm.xlane v3, v2;
	v4 =	vadd.s32 v1, v4;
	_ =	sdelay $0x1  }
0x171: {  	v3 =	vadd.s32 v1, v3;
	_ =	sdelay $0x1  }
0x172: {  	s16 =	simm.s32 $0xF200  }
0x173: {  	[tilespmem:s16], [sflag:$0x2] =	stream.indirect_vreg.gather [hbm4b:s1+s3], $0x80, v4, vm0, $0xb8;
	[tilespmem:$0x10200] =	vst v63  }
0x174: {  	s0 =	simm.s32 $0xFA00  }
0x175: {  	[tilespmem:s0], [sflag:$0x2] =	stream.indirect_vreg.gather [hbm4b:s1+s3], $0x80, v3, vm0, $0xb8;
	[tilespmem:$0x10200] =	vst v63  }
0x176: {  	s12 =	simm.s32 $0x200;
	s16 =	rddreg [dreg:$0x6]  }
0x177: {  	[hbm4b:s16+s3] =	stream.linear.scatter [tilespmem:s12], [sflag:$0x3], $0x8000, $0x38;
	[tilespmem:$0x10200] =	vst v63  }
0x178: {  	_ =	swait.ge [sflag:s6], $0x8000  }
0x179: {  	[sflag:s6] =	ssyncset.done $0x0  }
0x17a: {  	[sflag:s6] =	ssyncadd.s32 $0xFFFF8000  }
0x17b: {  	_ =	swait.ge [sflag:s7], $0x8000  }
0x17c: {  	p0 =	sne.s32 s5, $0x1;
	[sflag:s7] =	ssyncset.done $0x0  }
.Ltmp0:
0x17d: {  	s12 =	rddreg [dreg:$0x7];
	[sflag:s7] =	ssyncadd.s32 $0xFFFF8000;
	(pc) =	sbr.rel @p0 .LBB2_1-.Ltmp0, $4  }
0x17e: {  	[hbm4b:s12+s3] =	stream.linear.scatter [tilespmem:s23], [sflag:$0x3], $0x8000, $0x38;
	[tilespmem:$0x10200] =	vst v63  }
0x17f: {  	_ =	swait.ge [sflag:s6], $0x8000  }
0x180: {  	[sflag:s6] =	ssyncset.done $0x0  }
0x181: {  	s5 =	sadd.s32 $0xFFFFFFFF, s5;
	[sflag:s6] =	ssyncadd.s32 $0xFFFF8000  }
0x182: {  	_ =	sfence.sel $0x180000  }
0x183: {  	[bflag:$0x0] =	sbarrier.arrive $0xFFFF  }
0x184: {  	_ =	strace $0x90000047  }
0x185: {  	s0 =	stileid.u32;
	[bflag:$0x2] =	sbarrier.arrive $0xFFFF  }
0x186: {  	p0 =	sne.s32 s0, $0x0;
	s0 =	rddreg [dreg:$0x3]  }
0x187: {  	s0 =	sadd.s32 @!p0 $0x100000, s0  }
0x188: {  	[sflag:s0] =	ssyncadd.tile.s32 @!p0 $0x1;
	_ =	shalt  }
.Lfunc_end2:
_tile_overlayer_lowered:
.L_overlay_start_2:
0x189: {  	(tag) =	ssettag $0x2  }
0x18a: {  	s0 =	rddreg [dreg:$0x0];
	s2 =	stileid.u32  }
0x18b: {  	s1 =	rddreg [dreg:$0x1];
	p0 =	sne.s32 s2, $0x0  }
0x18c: {  	s3 =	rddreg [dreg:$0x2];
	[bflag:$0x3] =	sbarrier.arrive $0xFFFF;
	s2 =	simm.s32 @!p0 $0x1C03  }
0x18d: {  	[timem:s3], [sflag:s2] =	dma.local @!p0 [hbm:s0], s1  }
0x18e: {  	s0 =	simm.s32 @!p0 $0x3  }
0x18f: {  	_ =	swait.ge @!p0 [sflag:s0], s1  }
0x190: {  	s1 =	ssub.s32 @!p0 $0x0, s1;
	[sflag:s0] =	ssyncset.done @!p0 $0x0  }
0x191: {  	[sflag:s0] =	ssyncadd.s32 @!p0 s1  }
0x192: {  	[bflag:$0x3] =	sbarrier.arrive $0xFFFF  }
0x193: {  	_ =	shalt  }

</sc_bundles>
